<compile_context>
chip_gen: v7x
topology: tpu7x:2x2x1
jax: 0.10.2.dev20260603
libtpu: 0.0.44.dev20260713+nightly
codegen_flags: <defaults>
</compile_context>

<pallas_src>
import functools

import jax
import jax.numpy as jnp
from jax import lax
from jax.experimental import pallas as pl
from jax.experimental.pallas import tpu as pltpu
from jax.experimental.pallas import tpu_sc as plsc

VOCAB = 100000
EMBED = 128
UNITS = 128
B = 1024
T = 200
N = B * T
H3 = 3 * UNITS

_NC = 2
_NS = 16
_NW = _NC * _NS
_PER_W = N // _NW
_CHUNK = 640
_NCHUNK = _PER_W // _CHUNK
_SUB = 128
_NSUB = _CHUNK // _SUB


def _make_gather():
    mesh = plsc.VectorSubcoreMesh(core_axis_name="c", subcore_axis_name="s")

    @functools.partial(
        pl.kernel,
        mesh=mesh,
        out_type=jax.ShapeDtypeStruct((N, EMBED), jnp.float32),
        scratch_types=[
            pltpu.VMEM((_CHUNK,), jnp.int32),
            pltpu.VMEM((_CHUNK, EMBED), jnp.float32),
            pltpu.SemaphoreType.DMA,
        ],
    )
    def gather_k(idx_hbm, table_hbm, out_hbm, idx_v, rows_v, sem):
        wid = lax.axis_index("s") * _NC + lax.axis_index("c")
        base = wid * _PER_W

        def body(c, carry):
            off = base + c * _CHUNK
            pltpu.sync_copy(idx_hbm.at[pl.ds(off, _CHUNK)], idx_v)
            cps = [
                pltpu.async_copy(
                    table_hbm.at[idx_v.at[pl.ds(j * _SUB, _SUB)]],
                    rows_v.at[pl.ds(j * _SUB, _SUB)],
                    sem,
                )
                for j in range(_NSUB)
            ]
            for cp in cps:
                cp.wait()
            pltpu.sync_copy(rows_v, out_hbm.at[pl.ds(off, _CHUNK)])
            return carry

        lax.fori_loop(0, _NCHUNK, body, 0)

    return gather_k


_BB = 512
_TT = 8
_NB = B // _BB
_NT = T // _TT


def _gru_body(emb_ref, h0_ref, w_ref, u_ref, b_ref, rb_ref,
              out_ref, state_ref, h_scr):
    it = pl.program_id(1)

    @pl.when(it == 0)
    def _():
        h_scr[...] = h0_ref[...]

    w = w_ref[...]
    u = u_ref[...]
    bias = b_ref[...]
    rbias = rb_ref[...]
    emb = emb_ref[...].reshape(_BB * _TT, EMBED)
    xm = jnp.dot(emb, w, preferred_element_type=jnp.float32)
    xm = xm.reshape(_BB, _TT, H3) + bias[:, None, :]

    h = h_scr[...]
    for k in range(_TT):
        x_t = xm[:, k, :]
        hm = jnp.dot(h, u, preferred_element_type=jnp.float32) + rbias
        zr = 0.5 + 0.5 * jnp.tanh(
            0.5 * (x_t[:, :2 * UNITS] + hm[:, :2 * UNITS]))
        z = zr[:, :UNITS]
        r = zr[:, UNITS:]
        hh = jnp.tanh(x_t[:, 2 * UNITS:] + r * hm[:, 2 * UNITS:])
        h = z * h + (1.0 - z) * hh
        out_ref[:, k, :] = h
    h_scr[...] = h
    state_ref[...] = h


def _gru_call(emb, hidden, W, U, b2, rb2):
    return pl.pallas_call(
        _gru_body,
        grid=(_NB, _NT),
        in_specs=[
            pl.BlockSpec((_BB, _TT, EMBED), lambda ib, it: (ib, it, 0)),
            pl.BlockSpec((_BB, UNITS), lambda ib, it: (ib, 0)),
            pl.BlockSpec((EMBED, H3), lambda ib, it: (0, 0)),
            pl.BlockSpec((UNITS, H3), lambda ib, it: (0, 0)),
            pl.BlockSpec((1, H3), lambda ib, it: (0, 0)),
            pl.BlockSpec((1, H3), lambda ib, it: (0, 0)),
        ],
        out_specs=[
            pl.BlockSpec((_BB, _TT, UNITS), lambda ib, it: (ib, it, 0)),
            pl.BlockSpec((_BB, UNITS), lambda ib, it: (ib, 0)),
        ],
        out_shape=[
            jax.ShapeDtypeStruct((B, T, UNITS), jnp.float32),
            jax.ShapeDtypeStruct((B, UNITS), jnp.float32),
        ],
        scratch_shapes=[pltpu.VMEM((_BB, UNITS), jnp.float32)],
    )(emb, hidden, W, U, b2, rb2)


def kernel(x, hidden, E, W, U, b, rb):
    idx = x.reshape(N).astype(jnp.int32)
    emb = _make_gather()(idx, E)
    emb = emb.reshape(B, T, EMBED)
    out, state = _gru_call(emb, hidden, W, U,
                           b.reshape(1, H3), rb.reshape(1, H3))
    return (out, state)

# --- scband reference (transcript-rebuilt; emitter-appended) ---
"""Pipeline reference for scband-encoder-36696200577048 (READ-ONLY COPY).

The authoritative reference and input builder live on the scoring server;
editing this copy changes nothing except your own understanding.
"""

import jax, jax.numpy as jnp
import numpy as np

VOCAB = 100000
EMBED_DIM = 128
UNITS = 128
BATCH = 1024
SEQ = 200


def setup_inputs(seed: int = 0) -> dict:
    key = jax.random.key(seed)
    k1, k2, k3, k4, k5, k6 = jax.random.split(key, 6)
    x = jax.random.randint(k1, (BATCH, SEQ), 0, VOCAB, dtype=jnp.int64)
    hidden = jnp.zeros((BATCH, UNITS), dtype=jnp.float32)
    # learned params
    E = jax.random.normal(k2, (VOCAB, EMBED_DIM), dtype=jnp.float32) * 0.02
    # glorot-ish scaling for kernels
    W = jax.random.normal(k3, (EMBED_DIM, 3 * UNITS), dtype=jnp.float32) * np.float32(1.0 / np.sqrt(EMBED_DIM))
    U = jax.random.normal(k4, (UNITS, 3 * UNITS), dtype=jnp.float32) * np.float32(1.0 / np.sqrt(UNITS))
    b = jnp.zeros((3 * UNITS,), dtype=jnp.float32)
    rb = jnp.zeros((3 * UNITS,), dtype=jnp.float32)
    return {"x": x, "hidden": hidden, "E": E, "W": W, "U": U, "b": b, "rb": rb}


def _gru_scan(emb, hidden, W, U, b, rb):
    # emb: [B, T, D] -> scan over time. Keras GRU with reset_after=True,
    # recurrent_activation='sigmoid', activation='tanh'.
    emb_t = jnp.transpose(emb, (1, 0, 2))  # [T, B, D]

    def step(h, x_t):
        xm = x_t @ W + b           # [B, 3U]
        hm = h @ U + rb            # [B, 3U]
        xz, xr, xh = jnp.split(xm, 3, axis=-1)
        hz, hr, hh_rec = jnp.split(hm, 3, axis=-1)
        z = jax.nn.sigmoid(xz + hz)
        r = jax.nn.sigmoid(xr + hr)
        hh = jnp.tanh(xh + r * hh_rec)
        h_new = z * h + (1.0 - z) * hh
        return h_new, h_new

    state, outs = jax.lax.scan(step, hidden, emb_t)
    output = jnp.transpose(outs, (1, 0, 2))  # [B, T, U]
    return output, state


def reference(x, hidden, E, W, U, b, rb):
    # Encoder.call: embedding lookup then GRU with initial_state=hidden
    emb = jnp.take(E, x, axis=0)  # [B, T, D] gather (SparseCore-friendly)
    output, state = _gru_scan(emb, hidden, W, U, b, rb)
    return (output, state)

if __name__ == "__main__":
    import jax
    _d = setup_inputs()
    print(jax.jit(kernel)(*tuple(_d.values())))

</pallas_src>

<mosaic_0001>
#map = affine_map<(d0, d1) -> (0)>
#map1 = affine_map<(d0, d1) -> (0, 0)>
module attributes {stable_mosaic.version = 14 : i64} {
  func.func @gather_k(%arg0: i32, %arg1: i32, %arg2: memref<204800xi32, #tpu.memory_space<hbm>>, %arg3: memref<100000x128xf32, #tpu.memory_space<hbm>>, %arg4: memref<204800x128xf32, #tpu.memory_space<hbm>>, %arg5: memref<640xi32, #tpu.memory_space<vmem>>, %arg6: memref<640x128xf32, #tpu.memory_space<vmem>>, %arg7: memref<!tpu.dma_semaphore, #tpu.memory_space<semaphore_mem>>) attributes {dimension_semantics = [#tpu.dimension_semantics<core_parallel>, #tpu.dimension_semantics<subcore_parallel>], iteration_bounds = array<i64: 2, 16>, scalar_prefetch = 0 : i64, scratch_operands = 3 : i64, tpu.core_type = #tpu.core_type<sc_vector_subcore>, window_params = [{transform_indices = #map}, {transform_indices = #map1}, {transform_indices = #map1}]} {
    %mul3A = arith.constant 2 : i32
    %mul3A_0 = arith.muli %arg1, %mul3A : i32
    %add3A = arith.addi %mul3A_0, %arg0 : i32
    %mul3A_1 = arith.constant 6400 : i32
    %mul3A_2 = arith.muli %add3A, %mul3A_1 : i32
    %scan3A = arith.constant 0 : i32
    %scan3A_3 = arith.constant 0 : i32
    %scan3A_4 = arith.constant 10 : i32
    %scan3A_5 = arith.addi %scan3A_3, %scan3A_4 : i32
    %scan3A_6 = arith.constant 1 : i32
    scf.for %scan3A_8 = %scan3A_3 to %scan3A_5 step %scan3A_6  : i32 {
      %mul3A_9 = arith.constant 640 : i32
      %mul3A_10 = arith.muli %scan3A_8, %mul3A_9 : i32
      %add3A_11 = arith.addi %mul3A_2, %mul3A_10 : i32
      "tpu.region"() ({
        %run_scoped3A = tpu.sem_alloc : memref<!tpu.dma_semaphore, #tpu.memory_space<semaphore_mem>>
        %dma_start3A_90 = tpu.memref_slice %arg2[%add3A_11] : memref<204800xi32, #tpu.memory_space<hbm>> -> memref<640xi32, #tpu.memory_space<hbm>>
        %dma_start3A_91 = tpu.memref_slice %arg2[%add3A_11] : memref<204800xi32, #tpu.memory_space<hbm>> -> memref<640xi32, #tpu.memory_space<hbm>>
        tpu.enqueue_dma source(%dma_start3A_91 : memref<640xi32, #tpu.memory_space<hbm>>) target(%arg5 : memref<640xi32, #tpu.memory_space<vmem>>) target_semaphore(%run_scoped3A : memref<!tpu.dma_semaphore, #tpu.memory_space<semaphore_mem>>)
        %dma_wait3A_92 = tpu.memref_slice %arg2[%add3A_11] : memref<204800xi32, #tpu.memory_space<hbm>> -> memref<640xi32, #tpu.memory_space<hbm>>
        %dma_wait3A_93 = tpu.memref_slice %arg2[%add3A_11] : memref<204800xi32, #tpu.memory_space<hbm>> -> memref<640xi32, #tpu.memory_space<hbm>>
        tpu.wait_dma2 semaphore(%run_scoped3A : memref<!tpu.dma_semaphore, #tpu.memory_space<semaphore_mem>>) src(%dma_wait3A_93 : memref<640xi32, #tpu.memory_space<hbm>>) dst(%arg5 : memref<640xi32, #tpu.memory_space<vmem>>)
        tpu.yield
      }) : () -> ()
      %dma_start3A = arith.constant 0 : i32
      %dma_start3A_12 = arith.constant 0 : i32
      %dma_start3A_13 = tpu.memref_slice %arg6[%dma_start3A, %dma_start3A_12] : memref<640x128xf32, #tpu.memory_space<vmem>> -> memref<128x128xf32, #tpu.memory_space<vmem>>
      %dma_start3A_14 = arith.constant 0 : i32
      %dma_start3A_15 = tpu.memref_slice %arg5[%dma_start3A_14] : memref<640xi32, #tpu.memory_space<vmem>> -> memref<128xi32, #tpu.memory_space<vmem>>
      %dma_start3A_16 = arith.constant 0 : i32
      %dma_start3A_17 = arith.constant 0 : i32
      %dma_start3A_18 = tpu.memref_slice %arg3[%dma_start3A_16, %dma_start3A_17] : memref<100000x128xf32, #tpu.memory_space<hbm>> -> memref<100000x128xf32, #tpu.memory_space<hbm>>
      tpu.enqueue_indirect_dma source(%dma_start3A_18 : memref<100000x128xf32, #tpu.memory_space<hbm>>) target(%dma_start3A_13 : memref<128x128xf32, #tpu.memory_space<vmem>>) offsets(%dma_start3A_15 : memref<128xi32, #tpu.memory_space<vmem>>) semaphore(%arg7 : memref<!tpu.dma_semaphore, #tpu.memory_space<semaphore_mem>>)
      %dma_start3A_19 = arith.constant 128 : i32
      %dma_start3A_20 = arith.constant 0 : i32
      %dma_start3A_21 = tpu.memref_slice %arg6[%dma_start3A_19, %dma_start3A_20] : memref<640x128xf32, #tpu.memory_space<vmem>> -> memref<128x128xf32, #tpu.memory_space<vmem>>
      %dma_start3A_22 = arith.constant 128 : i32
      %dma_start3A_23 = tpu.memref_slice %arg5[%dma_start3A_22] : memref<640xi32, #tpu.memory_space<vmem>> -> memref<128xi32, #tpu.memory_space<vmem>>
      %dma_start3A_24 = arith.constant 0 : i32
      %dma_start3A_25 = arith.constant 0 : i32
      %dma_start3A_26 = tpu.memref_slice %arg3[%dma_start3A_24, %dma_start3A_25] : memref<100000x128xf32, #tpu.memory_space<hbm>> -> memref<100000x128xf32, #tpu.memory_space<hbm>>
      tpu.enqueue_indirect_dma source(%dma_start3A_26 : memref<100000x128xf32, #tpu.memory_space<hbm>>) target(%dma_start3A_21 : memref<128x128xf32, #tpu.memory_space<vmem>>) offsets(%dma_start3A_23 : memref<128xi32, #tpu.memory_space<vmem>>) semaphore(%arg7 : memref<!tpu.dma_semaphore, #tpu.memory_space<semaphore_mem>>)
      %dma_start3A_27 = arith.constant 256 : i32
      %dma_start3A_28 = arith.constant 0 : i32
      %dma_start3A_29 = tpu.memref_slice %arg6[%dma_start3A_27, %dma_start3A_28] : memref<640x128xf32, #tpu.memory_space<vmem>> -> memref<128x128xf32, #tpu.memory_space<vmem>>
      %dma_start3A_30 = arith.constant 256 : i32
      %dma_start3A_31 = tpu.memref_slice %arg5[%dma_start3A_30] : memref<640xi32, #tpu.memory_space<vmem>> -> memref<128xi32, #tpu.memory_space<vmem>>
      %dma_start3A_32 = arith.constant 0 : i32
      %dma_start3A_33 = arith.constant 0 : i32
      %dma_start3A_34 = tpu.memref_slice %arg3[%dma_start3A_32, %dma_start3A_33] : memref<100000x128xf32, #tpu.memory_space<hbm>> -> memref<100000x128xf32, #tpu.memory_space<hbm>>
      tpu.enqueue_indirect_dma source(%dma_start3A_34 : memref<100000x128xf32, #tpu.memory_space<hbm>>) target(%dma_start3A_29 : memref<128x128xf32, #tpu.memory_space<vmem>>) offsets(%dma_start3A_31 : memref<128xi32, #tpu.memory_space<vmem>>) semaphore(%arg7 : memref<!tpu.dma_semaphore, #tpu.memory_space<semaphore_mem>>)
      %dma_start3A_35 = arith.constant 384 : i32
      %dma_start3A_36 = arith.constant 0 : i32
      %dma_start3A_37 = tpu.memref_slice %arg6[%dma_start3A_35, %dma_start3A_36] : memref<640x128xf32, #tpu.memory_space<vmem>> -> memref<128x128xf32, #tpu.memory_space<vmem>>
      %dma_start3A_38 = arith.constant 384 : i32
      %dma_start3A_39 = tpu.memref_slice %arg5[%dma_start3A_38] : memref<640xi32, #tpu.memory_space<vmem>> -> memref<128xi32, #tpu.memory_space<vmem>>
      %dma_start3A_40 = arith.constant 0 : i32
      %dma_start3A_41 = arith.constant 0 : i32
      %dma_start3A_42 = tpu.memref_slice %arg3[%dma_start3A_40, %dma_start3A_41] : memref<100000x128xf32, #tpu.memory_space<hbm>> -> memref<100000x128xf32, #tpu.memory_space<hbm>>
      tpu.enqueue_indirect_dma source(%dma_start3A_42 : memref<100000x128xf32, #tpu.memory_space<hbm>>) target(%dma_start3A_37 : memref<128x128xf32, #tpu.memory_space<vmem>>) offsets(%dma_start3A_39 : memref<128xi32, #tpu.memory_space<vmem>>) semaphore(%arg7 : memref<!tpu.dma_semaphore, #tpu.memory_space<semaphore_mem>>)
      %dma_start3A_43 = arith.constant 512 : i32
      %dma_start3A_44 = arith.constant 0 : i32
      %dma_start3A_45 = tpu.memref_slice %arg6[%dma_start3A_43, %dma_start3A_44] : memref<640x128xf32, #tpu.memory_space<vmem>> -> memref<128x128xf32, #tpu.memory_space<vmem>>
      %dma_start3A_46 = arith.constant 512 : i32
      %dma_start3A_47 = tpu.memref_slice %arg5[%dma_start3A_46] : memref<640xi32, #tpu.memory_space<vmem>> -> memref<128xi32, #tpu.memory_space<vmem>>
      %dma_start3A_48 = arith.constant 0 : i32
      %dma_start3A_49 = arith.constant 0 : i32
      %dma_start3A_50 = tpu.memref_slice %arg3[%dma_start3A_48, %dma_start3A_49] : memref<100000x128xf32, #tpu.memory_space<hbm>> -> memref<100000x128xf32, #tpu.memory_space<hbm>>
      tpu.enqueue_indirect_dma source(%dma_start3A_50 : memref<100000x128xf32, #tpu.memory_space<hbm>>) target(%dma_start3A_45 : memref<128x128xf32, #tpu.memory_space<vmem>>) offsets(%dma_start3A_47 : memref<128xi32, #tpu.memory_space<vmem>>) semaphore(%arg7 : memref<!tpu.dma_semaphore, #tpu.memory_space<semaphore_mem>>)
      %dma_wait3A = arith.constant 0 : i32
      %dma_wait3A_51 = arith.constant 0 : i32
      %dma_wait3A_52 = tpu.memref_slice %arg6[%dma_wait3A, %dma_wait3A_51] : memref<640x128xf32, #tpu.memory_space<vmem>> -> memref<128x128xf32, #tpu.memory_space<vmem>>
      %dma_wait3A_53 = arith.constant 0 : i32
      %dma_wait3A_54 = tpu.memref_slice %arg5[%dma_wait3A_53] : memref<640xi32, #tpu.memory_space<vmem>> -> memref<128xi32, #tpu.memory_space<vmem>>
      %dma_wait3A_55 = arith.constant 0 : i32
      %dma_wait3A_56 = arith.constant 0 : i32
      %dma_wait3A_57 = tpu.memref_slice %arg3[%dma_wait3A_55, %dma_wait3A_56] : memref<100000x128xf32, #tpu.memory_space<hbm>> -> memref<100000x128xf32, #tpu.memory_space<hbm>>
      tpu.wait_indirect_dma semaphore(%arg7 : memref<!tpu.dma_semaphore, #tpu.memory_space<semaphore_mem>>) src(%dma_wait3A_57 : memref<100000x128xf32, #tpu.memory_space<hbm>>) dst(%dma_wait3A_52 : memref<128x128xf32, #tpu.memory_space<vmem>>)
      %dma_wait3A_58 = arith.constant 128 : i32
      %dma_wait3A_59 = arith.constant 0 : i32
      %dma_wait3A_60 = tpu.memref_slice %arg6[%dma_wait3A_58, %dma_wait3A_59] : memref<640x128xf32, #tpu.memory_space<vmem>> -> memref<128x128xf32, #tpu.memory_space<vmem>>
      %dma_wait3A_61 = arith.constant 128 : i32
      %dma_wait3A_62 = tpu.memref_slice %arg5[%dma_wait3A_61] : memref<640xi32, #tpu.memory_space<vmem>> -> memref<128xi32, #tpu.memory_space<vmem>>
      %dma_wait3A_63 = arith.constant 0 : i32
      %dma_wait3A_64 = arith.constant 0 : i32
      %dma_wait3A_65 = tpu.memref_slice %arg3[%dma_wait3A_63, %dma_wait3A_64] : memref<100000x128xf32, #tpu.memory_space<hbm>> -> memref<100000x128xf32, #tpu.memory_space<hbm>>
      tpu.wait_indirect_dma semaphore(%arg7 : memref<!tpu.dma_semaphore, #tpu.memory_space<semaphore_mem>>) src(%dma_wait3A_65 : memref<100000x128xf32, #tpu.memory_space<hbm>>) dst(%dma_wait3A_60 : memref<128x128xf32, #tpu.memory_space<vmem>>)
      %dma_wait3A_66 = arith.constant 256 : i32
      %dma_wait3A_67 = arith.constant 0 : i32
      %dma_wait3A_68 = tpu.memref_slice %arg6[%dma_wait3A_66, %dma_wait3A_67] : memref<640x128xf32, #tpu.memory_space<vmem>> -> memref<128x128xf32, #tpu.memory_space<vmem>>
      %dma_wait3A_69 = arith.constant 256 : i32
      %dma_wait3A_70 = tpu.memref_slice %arg5[%dma_wait3A_69] : memref<640xi32, #tpu.memory_space<vmem>> -> memref<128xi32, #tpu.memory_space<vmem>>
      %dma_wait3A_71 = arith.constant 0 : i32
      %dma_wait3A_72 = arith.constant 0 : i32
      %dma_wait3A_73 = tpu.memref_slice %arg3[%dma_wait3A_71, %dma_wait3A_72] : memref<100000x128xf32, #tpu.memory_space<hbm>> -> memref<100000x128xf32, #tpu.memory_space<hbm>>
      tpu.wait_indirect_dma semaphore(%arg7 : memref<!tpu.dma_semaphore, #tpu.memory_space<semaphore_mem>>) src(%dma_wait3A_73 : memref<100000x128xf32, #tpu.memory_space<hbm>>) dst(%dma_wait3A_68 : memref<128x128xf32, #tpu.memory_space<vmem>>)
      %dma_wait3A_74 = arith.constant 384 : i32
      %dma_wait3A_75 = arith.constant 0 : i32
      %dma_wait3A_76 = tpu.memref_slice %arg6[%dma_wait3A_74, %dma_wait3A_75] : memref<640x128xf32, #tpu.memory_space<vmem>> -> memref<128x128xf32, #tpu.memory_space<vmem>>
      %dma_wait3A_77 = arith.constant 384 : i32
      %dma_wait3A_78 = tpu.memref_slice %arg5[%dma_wait3A_77] : memref<640xi32, #tpu.memory_space<vmem>> -> memref<128xi32, #tpu.memory_space<vmem>>
      %dma_wait3A_79 = arith.constant 0 : i32
      %dma_wait3A_80 = arith.constant 0 : i32
      %dma_wait3A_81 = tpu.memref_slice %arg3[%dma_wait3A_79, %dma_wait3A_80] : memref<100000x128xf32, #tpu.memory_space<hbm>> -> memref<100000x128xf32, #tpu.memory_space<hbm>>
      tpu.wait_indirect_dma semaphore(%arg7 : memref<!tpu.dma_semaphore, #tpu.memory_space<semaphore_mem>>) src(%dma_wait3A_81 : memref<100000x128xf32, #tpu.memory_space<hbm>>) dst(%dma_wait3A_76 : memref<128x128xf32, #tpu.memory_space<vmem>>)
      %dma_wait3A_82 = arith.constant 512 : i32
      %dma_wait3A_83 = arith.constant 0 : i32
      %dma_wait3A_84 = tpu.memref_slice %arg6[%dma_wait3A_82, %dma_wait3A_83] : memref<640x128xf32, #tpu.memory_space<vmem>> -> memref<128x128xf32, #tpu.memory_space<vmem>>
      %dma_wait3A_85 = arith.constant 512 : i32
      %dma_wait3A_86 = tpu.memref_slice %arg5[%dma_wait3A_85] : memref<640xi32, #tpu.memory_space<vmem>> -> memref<128xi32, #tpu.memory_space<vmem>>
      %dma_wait3A_87 = arith.constant 0 : i32
      %dma_wait3A_88 = arith.constant 0 : i32
      %dma_wait3A_89 = tpu.memref_slice %arg3[%dma_wait3A_87, %dma_wait3A_88] : memref<100000x128xf32, #tpu.memory_space<hbm>> -> memref<100000x128xf32, #tpu.memory_space<hbm>>
      tpu.wait_indirect_dma semaphore(%arg7 : memref<!tpu.dma_semaphore, #tpu.memory_space<semaphore_mem>>) src(%dma_wait3A_89 : memref<100000x128xf32, #tpu.memory_space<hbm>>) dst(%dma_wait3A_84 : memref<128x128xf32, #tpu.memory_space<vmem>>)
      "tpu.region"() ({
        %run_scoped3A = tpu.sem_alloc : memref<!tpu.dma_semaphore, #tpu.memory_space<semaphore_mem>>
        %dma_start3A_90 = arith.constant 0 : i32
        %dma_start3A_91 = tpu.memref_slice %arg4[%add3A_11, %dma_start3A_90] : memref<204800x128xf32, #tpu.memory_space<hbm>> -> memref<640x128xf32, #tpu.memory_space<hbm>>
        %dma_start3A_92 = arith.constant 0 : i32
        %dma_start3A_93 = tpu.memref_slice %arg4[%add3A_11, %dma_start3A_92] : memref<204800x128xf32, #tpu.memory_space<hbm>> -> memref<640x128xf32, #tpu.memory_space<hbm>>
        tpu.enqueue_dma source(%arg6 : memref<640x128xf32, #tpu.memory_space<vmem>>) target(%dma_start3A_93 : memref<640x128xf32, #tpu.memory_space<hbm>>) target_semaphore(%run_scoped3A : memref<!tpu.dma_semaphore, #tpu.memory_space<semaphore_mem>>)
        %dma_wait3A_94 = arith.constant 0 : i32
        %dma_wait3A_95 = tpu.memref_slice %arg4[%add3A_11, %dma_wait3A_94] : memref<204800x128xf32, #tpu.memory_space<hbm>> -> memref<640x128xf32, #tpu.memory_space<hbm>>
        %dma_wait3A_96 = arith.constant 0 : i32
        %dma_wait3A_97 = tpu.memref_slice %arg4[%add3A_11, %dma_wait3A_96] : memref<204800x128xf32, #tpu.memory_space<hbm>> -> memref<640x128xf32, #tpu.memory_space<hbm>>
        tpu.wait_dma2 semaphore(%run_scoped3A : memref<!tpu.dma_semaphore, #tpu.memory_space<semaphore_mem>>) src(%arg6 : memref<640x128xf32, #tpu.memory_space<vmem>>) dst(%dma_wait3A_97 : memref<640x128xf32, #tpu.memory_space<hbm>>)
        tpu.yield
      }) : () -> ()
    }
    %scan3A_7 = arith.constant 10 : i32
    return
  }
}

module attributes {stable_mosaic.version = 14 : i64} {
  func.func @_gru_body(%arg0: i32, %arg1: i32, %arg2: memref<512x8x128xf32, #tpu.memory_space<vmem>>, %arg3: memref<512x128xf32, #tpu.memory_space<vmem>>, %arg4: memref<128x384xf32, #tpu.memory_space<vmem>>, %arg5: memref<128x384xf32, #tpu.memory_space<vmem>>, %arg6: memref<1x384xf32, #tpu.memory_space<vmem>>, %arg7: memref<1x384xf32, #tpu.memory_space<vmem>>, %arg8: memref<512x8x128xf32, #tpu.memory_space<vmem>>, %arg9: memref<512x128xf32, #tpu.memory_space<vmem>>, %arg10: memref<512x128xf32, #tpu.memory_space<vmem>>) attributes {dimension_semantics = [#tpu.dimension_semantics<arbitrary>, #tpu.dimension_semantics<arbitrary>], iteration_bounds = array<i64: 2, 25>, scalar_prefetch = 0 : i64, scratch_operands = 1 : i64, tpu.core_type = #tpu.core_type<tc>, window_params = [{transform_indices = @transform_0, window_bounds = array<i64: 512, 8, 128>}, {transform_indices = @transform_1, window_bounds = array<i64: 512, 128>}, {pipeline_mode = #tpu.pipeline_mode<synchronous>, transform_indices = @transform_2, window_bounds = array<i64: 128, 384>}, {pipeline_mode = #tpu.pipeline_mode<synchronous>, transform_indices = @transform_3, window_bounds = array<i64: 128, 384>}, {pipeline_mode = #tpu.pipeline_mode<synchronous>, transform_indices = @transform_4, window_bounds = array<i64: 1, 384>}, {pipeline_mode = #tpu.pipeline_mode<synchronous>, transform_indices = @transform_5, window_bounds = array<i64: 1, 384>}, {transform_indices = @transform_6, window_bounds = array<i64: 512, 8, 128>}, {transform_indices = @transform_7, window_bounds = array<i64: 512, 128>}]} {
    %eq3A = arith.constant 0 : i32
    %eq3A_0 = arith.cmpi eq, %arg1, %eq3A : i32
    %convert_element_type3A = arith.extui %eq3A_0 : i1 to i32
    %cond3A = arith.constant 0 : i32
    %cond3A_1 = arith.cmpi ne, %convert_element_type3A, %cond3A : i32
    scf.if %cond3A_1 {
      %get3A_327 = arith.constant 0 : index
      %get3A_328 = arith.constant 0 : index
      %get3A_329 = vector.load %arg3[%get3A_327, %get3A_328] : memref<512x128xf32, #tpu.memory_space<vmem>>, vector<512x128xf32>
      %swap3A_330 = arith.constant 0 : index
      %swap3A_331 = arith.constant 0 : index
      %swap3A_332 = vector.load %arg10[%swap3A_330, %swap3A_331] : memref<512x128xf32, #tpu.memory_space<vmem>>, vector<512x128xf32>
      tpu.vector_store %arg10[%swap3A_330, %swap3A_331], %get3A_329 {strides = array<i32>} : memref<512x128xf32, #tpu.memory_space<vmem>>, vector<512x128xf32>,
    } else {
    }
    %get3A = arith.constant 0 : index
    %get3A_2 = arith.constant 0 : index
    %get3A_3 = vector.load %arg4[%get3A, %get3A_2] : memref<128x384xf32, #tpu.memory_space<vmem>>, vector<128x384xf32>
    %get3A_4 = arith.constant 0 : index
    %get3A_5 = arith.constant 0 : index
    %get3A_6 = vector.load %arg5[%get3A_4, %get3A_5] : memref<128x384xf32, #tpu.memory_space<vmem>>, vector<128x384xf32>
    %get3A_7 = arith.constant 0 : index
    %get3A_8 = arith.constant 0 : index
    %get3A_9 = vector.load %arg6[%get3A_7, %get3A_8] : memref<1x384xf32, #tpu.memory_space<vmem>>, vector<1x384xf32>
    %get3A_10 = arith.constant 0 : index
    %get3A_11 = arith.constant 0 : index
    %get3A_12 = vector.load %arg7[%get3A_10, %get3A_11] : memref<1x384xf32, #tpu.memory_space<vmem>>, vector<1x384xf32>
    %get3A_13 = arith.constant 0 : index
    %get3A_14 = arith.constant 0 : index
    %get3A_15 = arith.constant 0 : index
    %get3A_16 = vector.load %arg2[%get3A_13, %get3A_14, %get3A_15] : memref<512x8x128xf32, #tpu.memory_space<vmem>>, vector<512x8x128xf32>
    %reshape3A = vector.shape_cast %get3A_16 : vector<512x8x128xf32> to vector<4096x128xf32>
    %dot_general3A = arith.constant dense<0.000000e+00> : vector<4096x384xf32>
    %dot_general3A_17 = tpu.matmul %reshape3A, %get3A_3, %dot_general3A {dimension_numbers = #tpu.dot_dimension_numbers<[1], [0], [0], [1], [0, 0, 1, 1], [], []>, transpose_lhs_hint = false} : vector<4096x128xf32>, vector<128x384xf32>, vector<4096x384xf32> -> vector<4096x384xf32>
    %reshape3A_18 = vector.shape_cast %dot_general3A_17 : vector<4096x384xf32> to vector<512x8x384xf32>
    %broadcast_in_dim3A = vector.shape_cast %get3A_9 : vector<1x384xf32> to vector<1x1x384xf32>
    %add3A = vector.broadcast %broadcast_in_dim3A : vector<1x1x384xf32> to vector<512x8x384xf32>
    %add3A_19 = arith.addf %reshape3A_18, %add3A : vector<512x8x384xf32>
    %get3A_20 = arith.constant 0 : index
    %get3A_21 = arith.constant 0 : index
    %get3A_22 = vector.load %arg10[%get3A_20, %get3A_21] : memref<512x128xf32, #tpu.memory_space<vmem>>, vector<512x128xf32>
    %slice3A = vector.extract_strided_slice %add3A_19 {offsets = [0, 0, 0], sizes = [512, 1, 384], strides = [1, 1, 1]} : vector<512x8x384xf32> to vector<512x1x384xf32>
    %squeeze3A = vector.shape_cast %slice3A : vector<512x1x384xf32> to vector<512x384xf32>
    %dot_general3A_23 = arith.constant dense<0.000000e+00> : vector<512x384xf32>
    %dot_general3A_24 = tpu.matmul %get3A_22, %get3A_6, %dot_general3A_23 {dimension_numbers = #tpu.dot_dimension_numbers<[1], [0], [0], [1], [0, 0, 1, 1], [], []>, transpose_lhs_hint = false} : vector<512x128xf32>, vector<128x384xf32>, vector<512x384xf32> -> vector<512x384xf32>
    %add3A_25 = vector.broadcast %get3A_12 : vector<1x384xf32> to vector<512x384xf32>
    %add3A_26 = arith.addf %dot_general3A_24, %add3A_25 : vector<512x384xf32>
    %slice3A_27 = vector.extract_strided_slice %squeeze3A {offsets = [0, 0], sizes = [512, 256], strides = [1, 1]} : vector<512x384xf32> to vector<512x256xf32>
    %slice3A_28 = vector.extract_strided_slice %add3A_26 {offsets = [0, 0], sizes = [512, 256], strides = [1, 1]} : vector<512x384xf32> to vector<512x256xf32>
    %add3A_29 = arith.addf %slice3A_27, %slice3A_28 : vector<512x256xf32>
    %mul3A = arith.constant 5.000000e-01 : f32
    %mul3A_30 = vector.broadcast %mul3A : f32 to vector<512x256xf32>
    %mul3A_31 = arith.mulf %mul3A_30, %add3A_29 : vector<512x256xf32>
    %tanh3A = math.tanh %mul3A_31 : vector<512x256xf32>
    %mul3A_32 = arith.constant 5.000000e-01 : f32
    %mul3A_33 = vector.broadcast %mul3A_32 : f32 to vector<512x256xf32>
    %mul3A_34 = arith.mulf %mul3A_33, %tanh3A : vector<512x256xf32>
    %add3A_35 = arith.constant 5.000000e-01 : f32
    %add3A_36 = vector.broadcast %add3A_35 : f32 to vector<512x256xf32>
    %add3A_37 = arith.addf %add3A_36, %mul3A_34 : vector<512x256xf32>
    %slice3A_38 = vector.extract_strided_slice %add3A_37 {offsets = [0, 0], sizes = [512, 128], strides = [1, 1]} : vector<512x256xf32> to vector<512x128xf32>
    %slice3A_39 = vector.extract_strided_slice %add3A_37 {offsets = [0, 128], sizes = [512, 128], strides = [1, 1]} : vector<512x256xf32> to vector<512x128xf32>
    %slice3A_40 = vector.extract_strided_slice %squeeze3A {offsets = [0, 256], sizes = [512, 128], strides = [1, 1]} : vector<512x384xf32> to vector<512x128xf32>
    %slice3A_41 = vector.extract_strided_slice %add3A_26 {offsets = [0, 256], sizes = [512, 128], strides = [1, 1]} : vector<512x384xf32> to vector<512x128xf32>
    %mul3A_42 = arith.mulf %slice3A_39, %slice3A_41 : vector<512x128xf32>
    %add3A_43 = arith.addf %slice3A_40, %mul3A_42 : vector<512x128xf32>
    %tanh3A_44 = math.tanh %add3A_43 : vector<512x128xf32>
    %mul3A_45 = arith.mulf %slice3A_38, %get3A_22 : vector<512x128xf32>
    %sub3A = arith.constant 1.000000e+00 : f32
    %sub3A_46 = vector.broadcast %sub3A : f32 to vector<512x128xf32>
    %sub3A_47 = arith.subf %sub3A_46, %slice3A_38 : vector<512x128xf32>
    %mul3A_48 = arith.mulf %sub3A_47, %tanh3A_44 : vector<512x128xf32>
    %add3A_49 = arith.addf %mul3A_45, %mul3A_48 : vector<512x128xf32>
    %swap3A = arith.constant 0 : index
    %swap3A_50 = arith.constant 0 : index
    %swap3A_51 = arith.constant 0 : index
    %swap3A_52 = vector.load %arg8[%swap3A, %swap3A_50, %swap3A_51] : memref<512x8x128xf32, #tpu.memory_space<vmem>>, vector<512x1x128xf32>
    %swap3A_53 = vector.shape_cast %swap3A_52 : vector<512x1x128xf32> to vector<512x128xf32>
    %swap3A_54 = vector.shape_cast %add3A_49 : vector<512x128xf32> to vector<512x1x128xf32>
    tpu.vector_store %arg8[%swap3A, %swap3A_50, %swap3A_51], %swap3A_54 {strides = array<i32>} : memref<512x8x128xf32, #tpu.memory_space<vmem>>, vector<512x1x128xf32>,
    %slice3A_55 = vector.extract_strided_slice %add3A_19 {offsets = [0, 1, 0], sizes = [512, 1, 384], strides = [1, 1, 1]} : vector<512x8x384xf32> to vector<512x1x384xf32>
    %squeeze3A_56 = vector.shape_cast %slice3A_55 : vector<512x1x384xf32> to vector<512x384xf32>
    %dot_general3A_57 = arith.constant dense<0.000000e+00> : vector<512x384xf32>
    %dot_general3A_58 = tpu.matmul %add3A_49, %get3A_6, %dot_general3A_57 {dimension_numbers = #tpu.dot_dimension_numbers<[1], [0], [0], [1], [0, 0, 1, 1], [], []>, transpose_lhs_hint = false} : vector<512x128xf32>, vector<128x384xf32>, vector<512x384xf32> -> vector<512x384xf32>
    %add3A_59 = vector.broadcast %get3A_12 : vector<1x384xf32> to vector<512x384xf32>
    %add3A_60 = arith.addf %dot_general3A_58, %add3A_59 : vector<512x384xf32>
    %slice3A_61 = vector.extract_strided_slice %squeeze3A_56 {offsets = [0, 0], sizes = [512, 256], strides = [1, 1]} : vector<512x384xf32> to vector<512x256xf32>
    %slice3A_62 = vector.extract_strided_slice %add3A_60 {offsets = [0, 0], sizes = [512, 256], strides = [1, 1]} : vector<512x384xf32> to vector<512x256xf32>
    %add3A_63 = arith.addf %slice3A_61, %slice3A_62 : vector<512x256xf32>
    %mul3A_64 = arith.constant 5.000000e-01 : f32
    %mul3A_65 = vector.broadcast %mul3A_64 : f32 to vector<512x256xf32>
    %mul3A_66 = arith.mulf %mul3A_65, %add3A_63 : vector<512x256xf32>
    %tanh3A_67 = math.tanh %mul3A_66 : vector<512x256xf32>
    %mul3A_68 = arith.constant 5.000000e-01 : f32
    %mul3A_69 = vector.broadcast %mul3A_68 : f32 to vector<512x256xf32>
    %mul3A_70 = arith.mulf %mul3A_69, %tanh3A_67 : vector<512x256xf32>
    %add3A_71 = arith.constant 5.000000e-01 : f32
    %add3A_72 = vector.broadcast %add3A_71 : f32 to vector<512x256xf32>
    %add3A_73 = arith.addf %add3A_72, %mul3A_70 : vector<512x256xf32>
    %slice3A_74 = vector.extract_strided_slice %add3A_73 {offsets = [0, 0], sizes = [512, 128], strides = [1, 1]} : vector<512x256xf32> to vector<512x128xf32>
    %slice3A_75 = vector.extract_strided_slice %add3A_73 {offsets = [0, 128], sizes = [512, 128], strides = [1, 1]} : vector<512x256xf32> to vector<512x128xf32>
    %slice3A_76 = vector.extract_strided_slice %squeeze3A_56 {offsets = [0, 256], sizes = [512, 128], strides = [1, 1]} : vector<512x384xf32> to vector<512x128xf32>
    %slice3A_77 = vector.extract_strided_slice %add3A_60 {offsets = [0, 256], sizes = [512, 128], strides = [1, 1]} : vector<512x384xf32> to vector<512x128xf32>
    %mul3A_78 = arith.mulf %slice3A_75, %slice3A_77 : vector<512x128xf32>
    %add3A_79 = arith.addf %slice3A_76, %mul3A_78 : vector<512x128xf32>
    %tanh3A_80 = math.tanh %add3A_79 : vector<512x128xf32>
    %mul3A_81 = arith.mulf %slice3A_74, %add3A_49 : vector<512x128xf32>
    %sub3A_82 = arith.constant 1.000000e+00 : f32
    %sub3A_83 = vector.broadcast %sub3A_82 : f32 to vector<512x128xf32>
    %sub3A_84 = arith.subf %sub3A_83, %slice3A_74 : vector<512x128xf32>
    %mul3A_85 = arith.mulf %sub3A_84, %tanh3A_80 : vector<512x128xf32>
    %add3A_86 = arith.addf %mul3A_81, %mul3A_85 : vector<512x128xf32>
    %swap3A_87 = arith.constant 0 : index
    %swap3A_88 = arith.constant 1 : index
    %swap3A_89 = arith.constant 0 : index
    %swap3A_90 = vector.load %arg8[%swap3A_87, %swap3A_88, %swap3A_89] : memref<512x8x128xf32, #tpu.memory_space<vmem>>, vector<512x1x128xf32>
    %swap3A_91 = vector.shape_cast %swap3A_90 : vector<512x1x128xf32> to vector<512x128xf32>
    %swap3A_92 = vector.shape_cast %add3A_86 : vector<512x128xf32> to vector<512x1x128xf32>
    tpu.vector_store %arg8[%swap3A_87, %swap3A_88, %swap3A_89], %swap3A_92 {strides = array<i32>} : memref<512x8x128xf32, #tpu.memory_space<vmem>>, vector<512x1x128xf32>,
    %slice3A_93 = vector.extract_strided_slice %add3A_19 {offsets = [0, 2, 0], sizes = [512, 1, 384], strides = [1, 1, 1]} : vector<512x8x384xf32> to vector<512x1x384xf32>
    %squeeze3A_94 = vector.shape_cast %slice3A_93 : vector<512x1x384xf32> to vector<512x384xf32>
    %dot_general3A_95 = arith.constant dense<0.000000e+00> : vector<512x384xf32>
    %dot_general3A_96 = tpu.matmul %add3A_86, %get3A_6, %dot_general3A_95 {dimension_numbers = #tpu.dot_dimension_numbers<[1], [0], [0], [1], [0, 0, 1, 1], [], []>, transpose_lhs_hint = false} : vector<512x128xf32>, vector<128x384xf32>, vector<512x384xf32> -> vector<512x384xf32>
    %add3A_97 = vector.broadcast %get3A_12 : vector<1x384xf32> to vector<512x384xf32>
    %add3A_98 = arith.addf %dot_general3A_96, %add3A_97 : vector<512x384xf32>
    %slice3A_99 = vector.extract_strided_slice %squeeze3A_94 {offsets = [0, 0], sizes = [512, 256], strides = [1, 1]} : vector<512x384xf32> to vector<512x256xf32>
    %slice3A_100 = vector.extract_strided_slice %add3A_98 {offsets = [0, 0], sizes = [512, 256], strides = [1, 1]} : vector<512x384xf32> to vector<512x256xf32>
    %add3A_101 = arith.addf %slice3A_99, %slice3A_100 : vector<512x256xf32>
    %mul3A_102 = arith.constant 5.000000e-01 : f32
    %mul3A_103 = vector.broadcast %mul3A_102 : f32 to vector<512x256xf32>
    %mul3A_104 = arith.mulf %mul3A_103, %add3A_101 : vector<512x256xf32>
    %tanh3A_105 = math.tanh %mul3A_104 : vector<512x256xf32>
    %mul3A_106 = arith.constant 5.000000e-01 : f32
    %mul3A_107 = vector.broadcast %mul3A_106 : f32 to vector<512x256xf32>
    %mul3A_108 = arith.mulf %mul3A_107, %tanh3A_105 : vector<512x256xf32>
    %add3A_109 = arith.constant 5.000000e-01 : f32
    %add3A_110 = vector.broadcast %add3A_109 : f32 to vector<512x256xf32>
    %add3A_111 = arith.addf %add3A_110, %mul3A_108 : vector<512x256xf32>
    %slice3A_112 = vector.extract_strided_slice %add3A_111 {offsets = [0, 0], sizes = [512, 128], strides = [1, 1]} : vector<512x256xf32> to vector<512x128xf32>
    %slice3A_113 = vector.extract_strided_slice %add3A_111 {offsets = [0, 128], sizes = [512, 128], strides = [1, 1]} : vector<512x256xf32> to vector<512x128xf32>
    %slice3A_114 = vector.extract_strided_slice %squeeze3A_94 {offsets = [0, 256], sizes = [512, 128], strides = [1, 1]} : vector<512x384xf32> to vector<512x128xf32>
    %slice3A_115 = vector.extract_strided_slice %add3A_98 {offsets = [0, 256], sizes = [512, 128], strides = [1, 1]} : vector<512x384xf32> to vector<512x128xf32>
    %mul3A_116 = arith.mulf %slice3A_113, %slice3A_115 : vector<512x128xf32>
    %add3A_117 = arith.addf %slice3A_114, %mul3A_116 : vector<512x128xf32>
    %tanh3A_118 = math.tanh %add3A_117 : vector<512x128xf32>
    %mul3A_119 = arith.mulf %slice3A_112, %add3A_86 : vector<512x128xf32>
    %sub3A_120 = arith.constant 1.000000e+00 : f32
    %sub3A_121 = vector.broadcast %sub3A_120 : f32 to vector<512x128xf32>
    %sub3A_122 = arith.subf %sub3A_121, %slice3A_112 : vector<512x128xf32>
    %mul3A_123 = arith.mulf %sub3A_122, %tanh3A_118 : vector<512x128xf32>
    %add3A_124 = arith.addf %mul3A_119, %mul3A_123 : vector<512x128xf32>
    %swap3A_125 = arith.constant 0 : index
    %swap3A_126 = arith.constant 2 : index
    %swap3A_127 = arith.constant 0 : index
    %swap3A_128 = vector.load %arg8[%swap3A_125, %swap3A_126, %swap3A_127] : memref<512x8x128xf32, #tpu.memory_space<vmem>>, vector<512x1x128xf32>
    %swap3A_129 = vector.shape_cast %swap3A_128 : vector<512x1x128xf32> to vector<512x128xf32>
    %swap3A_130 = vector.shape_cast %add3A_124 : vector<512x128xf32> to vector<512x1x128xf32>
    tpu.vector_store %arg8[%swap3A_125, %swap3A_126, %swap3A_127], %swap3A_130 {strides = array<i32>} : memref<512x8x128xf32, #tpu.memory_space<vmem>>, vector<512x1x128xf32>,
    %slice3A_131 = vector.extract_strided_slice %add3A_19 {offsets = [0, 3, 0], sizes = [512, 1, 384], strides = [1, 1, 1]} : vector<512x8x384xf32> to vector<512x1x384xf32>
    %squeeze3A_132 = vector.shape_cast %slice3A_131 : vector<512x1x384xf32> to vector<512x384xf32>
    %dot_general3A_133 = arith.constant dense<0.000000e+00> : vector<512x384xf32>
    %dot_general3A_134 = tpu.matmul %add3A_124, %get3A_6, %dot_general3A_133 {dimension_numbers = #tpu.dot_dimension_numbers<[1], [0], [0], [1], [0, 0, 1, 1], [], []>, transpose_lhs_hint = false} : vector<512x128xf32>, vector<128x384xf32>, vector<512x384xf32> -> vector<512x384xf32>
    %add3A_135 = vector.broadcast %get3A_12 : vector<1x384xf32> to vector<512x384xf32>
    %add3A_136 = arith.addf %dot_general3A_134, %add3A_135 : vector<512x384xf32>
    %slice3A_137 = vector.extract_strided_slice %squeeze3A_132 {offsets = [0, 0], sizes = [512, 256], strides = [1, 1]} : vector<512x384xf32> to vector<512x256xf32>
    %slice3A_138 = vector.extract_strided_slice %add3A_136 {offsets = [0, 0], sizes = [512, 256], strides = [1, 1]} : vector<512x384xf32> to vector<512x256xf32>
    %add3A_139 = arith.addf %slice3A_137, %slice3A_138 : vector<512x256xf32>
    %mul3A_140 = arith.constant 5.000000e-01 : f32
    %mul3A_141 = vector.broadcast %mul3A_140 : f32 to vector<512x256xf32>
    %mul3A_142 = arith.mulf %mul3A_141, %add3A_139 : vector<512x256xf32>
    %tanh3A_143 = math.tanh %mul3A_142 : vector<512x256xf32>
    %mul3A_144 = arith.constant 5.000000e-01 : f32
    %mul3A_145 = vector.broadcast %mul3A_144 : f32 to vector<512x256xf32>
    %mul3A_146 = arith.mulf %mul3A_145, %tanh3A_143 : vector<512x256xf32>
    %add3A_147 = arith.constant 5.000000e-01 : f32
    %add3A_148 = vector.broadcast %add3A_147 : f32 to vector<512x256xf32>
    %add3A_149 = arith.addf %add3A_148, %mul3A_146 : vector<512x256xf32>
    %slice3A_150 = vector.extract_strided_slice %add3A_149 {offsets = [0, 0], sizes = [512, 128], strides = [1, 1]} : vector<512x256xf32> to vector<512x128xf32>
    %slice3A_151 = vector.extract_strided_slice %add3A_149 {offsets = [0, 128], sizes = [512, 128], strides = [1, 1]} : vector<512x256xf32> to vector<512x128xf32>
    %slice3A_152 = vector.extract_strided_slice %squeeze3A_132 {offsets = [0, 256], sizes = [512, 128], strides = [1, 1]} : vector<512x384xf32> to vector<512x128xf32>
    %slice3A_153 = vector.extract_strided_slice %add3A_136 {offsets = [0, 256], sizes = [512, 128], strides = [1, 1]} : vector<512x384xf32> to vector<512x128xf32>
    %mul3A_154 = arith.mulf %slice3A_151, %slice3A_153 : vector<512x128xf32>
    %add3A_155 = arith.addf %slice3A_152, %mul3A_154 : vector<512x128xf32>
    %tanh3A_156 = math.tanh %add3A_155 : vector<512x128xf32>
    %mul3A_157 = arith.mulf %slice3A_150, %add3A_124 : vector<512x128xf32>
    %sub3A_158 = arith.constant 1.000000e+00 : f32
    %sub3A_159 = vector.broadcast %sub3A_158 : f32 to vector<512x128xf32>
    %sub3A_160 = arith.subf %sub3A_159, %slice3A_150 : vector<512x128xf32>
    %mul3A_161 = arith.mulf %sub3A_160, %tanh3A_156 : vector<512x128xf32>
    %add3A_162 = arith.addf %mul3A_157, %mul3A_161 : vector<512x128xf32>
    %swap3A_163 = arith.constant 0 : index
    %swap3A_164 = arith.constant 3 : index
    %swap3A_165 = arith.constant 0 : index
    %swap3A_166 = vector.load %arg8[%swap3A_163, %swap3A_164, %swap3A_165] : memref<512x8x128xf32, #tpu.memory_space<vmem>>, vector<512x1x128xf32>
    %swap3A_167 = vector.shape_cast %swap3A_166 : vector<512x1x128xf32> to vector<512x128xf32>
    %swap3A_168 = vector.shape_cast %add3A_162 : vector<512x128xf32> to vector<512x1x128xf32>
    tpu.vector_store %arg8[%swap3A_163, %swap3A_164, %swap3A_165], %swap3A_168 {strides = array<i32>} : memref<512x8x128xf32, #tpu.memory_space<vmem>>, vector<512x1x128xf32>,
    %slice3A_169 = vector.extract_strided_slice %add3A_19 {offsets = [0, 4, 0], sizes = [512, 1, 384], strides = [1, 1, 1]} : vector<512x8x384xf32> to vector<512x1x384xf32>
    %squeeze3A_170 = vector.shape_cast %slice3A_169 : vector<512x1x384xf32> to vector<512x384xf32>
    %dot_general3A_171 = arith.constant dense<0.000000e+00> : vector<512x384xf32>
    %dot_general3A_172 = tpu.matmul %add3A_162, %get3A_6, %dot_general3A_171 {dimension_numbers = #tpu.dot_dimension_numbers<[1], [0], [0], [1], [0, 0, 1, 1], [], []>, transpose_lhs_hint = false} : vector<512x128xf32>, vector<128x384xf32>, vector<512x384xf32> -> vector<512x384xf32>
    %add3A_173 = vector.broadcast %get3A_12 : vector<1x384xf32> to vector<512x384xf32>
    %add3A_174 = arith.addf %dot_general3A_172, %add3A_173 : vector<512x384xf32>
    %slice3A_175 = vector.extract_strided_slice %squeeze3A_170 {offsets = [0, 0], sizes = [512, 256], strides = [1, 1]} : vector<512x384xf32> to vector<512x256xf32>
    %slice3A_176 = vector.extract_strided_slice %add3A_174 {offsets = [0, 0], sizes = [512, 256], strides = [1, 1]} : vector<512x384xf32> to vector<512x256xf32>
    %add3A_177 = arith.addf %slice3A_175, %slice3A_176 : vector<512x256xf32>
    %mul3A_178 = arith.constant 5.000000e-01 : f32
    %mul3A_179 = vector.broadcast %mul3A_178 : f32 to vector<512x256xf32>
    %mul3A_180 = arith.mulf %mul3A_179, %add3A_177 : vector<512x256xf32>
    %tanh3A_181 = math.tanh %mul3A_180 : vector<512x256xf32>
    %mul3A_182 = arith.constant 5.000000e-01 : f32
    %mul3A_183 = vector.broadcast %mul3A_182 : f32 to vector<512x256xf32>
    %mul3A_184 = arith.mulf %mul3A_183, %tanh3A_181 : vector<512x256xf32>
    %add3A_185 = arith.constant 5.000000e-01 : f32
    %add3A_186 = vector.broadcast %add3A_185 : f32 to vector<512x256xf32>
    %add3A_187 = arith.addf %add3A_186, %mul3A_184 : vector<512x256xf32>
    %slice3A_188 = vector.extract_strided_slice %add3A_187 {offsets = [0, 0], sizes = [512, 128], strides = [1, 1]} : vector<512x256xf32> to vector<512x128xf32>
    %slice3A_189 = vector.extract_strided_slice %add3A_187 {offsets = [0, 128], sizes = [512, 128], strides = [1, 1]} : vector<512x256xf32> to vector<512x128xf32>
    %slice3A_190 = vector.extract_strided_slice %squeeze3A_170 {offsets = [0, 256], sizes = [512, 128], strides = [1, 1]} : vector<512x384xf32> to vector<512x128xf32>
    %slice3A_191 = vector.extract_strided_slice %add3A_174 {offsets = [0, 256], sizes = [512, 128], strides = [1, 1]} : vector<512x384xf32> to vector<512x128xf32>
    %mul3A_192 = arith.mulf %slice3A_189, %slice3A_191 : vector<512x128xf32>
    %add3A_193 = arith.addf %slice3A_190, %mul3A_192 : vector<512x128xf32>
    %tanh3A_194 = math.tanh %add3A_193 : vector<512x128xf32>
    %mul3A_195 = arith.mulf %slice3A_188, %add3A_162 : vector<512x128xf32>
    %sub3A_196 = arith.constant 1.000000e+00 : f32
    %sub3A_197 = vector.broadcast %sub3A_196 : f32 to vector<512x128xf32>
    %sub3A_198 = arith.subf %sub3A_197, %slice3A_188 : vector<512x128xf32>
    %mul3A_199 = arith.mulf %sub3A_198, %tanh3A_194 : vector<512x128xf32>
    %add3A_200 = arith.addf %mul3A_195, %mul3A_199 : vector<512x128xf32>
    %swap3A_201 = arith.constant 0 : index
    %swap3A_202 = arith.constant 4 : index
    %swap3A_203 = arith.constant 0 : index
    %swap3A_204 = vector.load %arg8[%swap3A_201, %swap3A_202, %swap3A_203] : memref<512x8x128xf32, #tpu.memory_space<vmem>>, vector<512x1x128xf32>
    %swap3A_205 = vector.shape_cast %swap3A_204 : vector<512x1x128xf32> to vector<512x128xf32>
    %swap3A_206 = vector.shape_cast %add3A_200 : vector<512x128xf32> to vector<512x1x128xf32>
    tpu.vector_store %arg8[%swap3A_201, %swap3A_202, %swap3A_203], %swap3A_206 {strides = array<i32>} : memref<512x8x128xf32, #tpu.memory_space<vmem>>, vector<512x1x128xf32>,
    %slice3A_207 = vector.extract_strided_slice %add3A_19 {offsets = [0, 5, 0], sizes = [512, 1, 384], strides = [1, 1, 1]} : vector<512x8x384xf32> to vector<512x1x384xf32>
    %squeeze3A_208 = vector.shape_cast %slice3A_207 : vector<512x1x384xf32> to vector<512x384xf32>
    %dot_general3A_209 = arith.constant dense<0.000000e+00> : vector<512x384xf32>
    %dot_general3A_210 = tpu.matmul %add3A_200, %get3A_6, %dot_general3A_209 {dimension_numbers = #tpu.dot_dimension_numbers<[1], [0], [0], [1], [0, 0, 1, 1], [], []>, transpose_lhs_hint = false} : vector<512x128xf32>, vector<128x384xf32>, vector<512x384xf32> -> vector<512x384xf32>
    %add3A_211 = vector.broadcast %get3A_12 : vector<1x384xf32> to vector<512x384xf32>
    %add3A_212 = arith.addf %dot_general3A_210, %add3A_211 : vector<512x384xf32>
    %slice3A_213 = vector.extract_strided_slice %squeeze3A_208 {offsets = [0, 0], sizes = [512, 256], strides = [1, 1]} : vector<512x384xf32> to vector<512x256xf32>
    %slice3A_214 = vector.extract_strided_slice %add3A_212 {offsets = [0, 0], sizes = [512, 256], strides = [1, 1]} : vector<512x384xf32> to vector<512x256xf32>
    %add3A_215 = arith.addf %slice3A_213, %slice3A_214 : vector<512x256xf32>
    %mul3A_216 = arith.constant 5.000000e-01 : f32
    %mul3A_217 = vector.broadcast %mul3A_216 : f32 to vector<512x256xf32>
    %mul3A_218 = arith.mulf %mul3A_217, %add3A_215 : vector<512x256xf32>
    %tanh3A_219 = math.tanh %mul3A_218 : vector<512x256xf32>
    %mul3A_220 = arith.constant 5.000000e-01 : f32
    %mul3A_221 = vector.broadcast %mul3A_220 : f32 to vector<512x256xf32>
    %mul3A_222 = arith.mulf %mul3A_221, %tanh3A_219 : vector<512x256xf32>
    %add3A_223 = arith.constant 5.000000e-01 : f32
    %add3A_224 = vector.broadcast %add3A_223 : f32 to vector<512x256xf32>
    %add3A_225 = arith.addf %add3A_224, %mul3A_222 : vector<512x256xf32>
    %slice3A_226 = vector.extract_strided_slice %add3A_225 {offsets = [0, 0], sizes = [512, 128], strides = [1, 1]} : vector<512x256xf32> to vector<512x128xf32>
    %slice3A_227 = vector.extract_strided_slice %add3A_225 {offsets = [0, 128], sizes = [512, 128], strides = [1, 1]} : vector<512x256xf32> to vector<512x128xf32>
    %slice3A_228 = vector.extract_strided_slice %squeeze3A_208 {offsets = [0, 256], sizes = [512, 128], strides = [1, 1]} : vector<512x384xf32> to vector<512x128xf32>
    %slice3A_229 = vector.extract_strided_slice %add3A_212 {offsets = [0, 256], sizes = [512, 128], strides = [1, 1]} : vector<512x384xf32> to vector<512x128xf32>
    %mul3A_230 = arith.mulf %slice3A_227, %slice3A_229 : vector<512x128xf32>
    %add3A_231 = arith.addf %slice3A_228, %mul3A_230 : vector<512x128xf32>
    %tanh3A_232 = math.tanh %add3A_231 : vector<512x128xf32>
    %mul3A_233 = arith.mulf %slice3A_226, %add3A_200 : vector<512x128xf32>
    %sub3A_234 = arith.constant 1.000000e+00 : f32
    %sub3A_235 = vector.broadcast %sub3A_234 : f32 to vector<512x128xf32>
    %sub3A_236 = arith.subf %sub3A_235, %slice3A_226 : vector<512x128xf32>
    %mul3A_237 = arith.mulf %sub3A_236, %tanh3A_232 : vector<512x128xf32>
    %add3A_238 = arith.addf %mul3A_233, %mul3A_237 : vector<512x128xf32>
    %swap3A_239 = arith.constant 0 : index
    %swap3A_240 = arith.constant 5 : index
    %swap3A_241 = arith.constant 0 : index
    %swap3A_242 = vector.load %arg8[%swap3A_239, %swap3A_240, %swap3A_241] : memref<512x8x128xf32, #tpu.memory_space<vmem>>, vector<512x1x128xf32>
    %swap3A_243 = vector.shape_cast %swap3A_242 : vector<512x1x128xf32> to vector<512x128xf32>
    %swap3A_244 = vector.shape_cast %add3A_238 : vector<512x128xf32> to vector<512x1x128xf32>
    tpu.vector_store %arg8[%swap3A_239, %swap3A_240, %swap3A_241], %swap3A_244 {strides = array<i32>} : memref<512x8x128xf32, #tpu.memory_space<vmem>>, vector<512x1x128xf32>,
    %slice3A_245 = vector.extract_strided_slice %add3A_19 {offsets = [0, 6, 0], sizes = [512, 1, 384], strides = [1, 1, 1]} : vector<512x8x384xf32> to vector<512x1x384xf32>
    %squeeze3A_246 = vector.shape_cast %slice3A_245 : vector<512x1x384xf32> to vector<512x384xf32>
    %dot_general3A_247 = arith.constant dense<0.000000e+00> : vector<512x384xf32>
    %dot_general3A_248 = tpu.matmul %add3A_238, %get3A_6, %dot_general3A_247 {dimension_numbers = #tpu.dot_dimension_numbers<[1], [0], [0], [1], [0, 0, 1, 1], [], []>, transpose_lhs_hint = false} : vector<512x128xf32>, vector<128x384xf32>, vector<512x384xf32> -> vector<512x384xf32>
    %add3A_249 = vector.broadcast %get3A_12 : vector<1x384xf32> to vector<512x384xf32>
    %add3A_250 = arith.addf %dot_general3A_248, %add3A_249 : vector<512x384xf32>
    %slice3A_251 = vector.extract_strided_slice %squeeze3A_246 {offsets = [0, 0], sizes = [512, 256], strides = [1, 1]} : vector<512x384xf32> to vector<512x256xf32>
    %slice3A_252 = vector.extract_strided_slice %add3A_250 {offsets = [0, 0], sizes = [512, 256], strides = [1, 1]} : vector<512x384xf32> to vector<512x256xf32>
    %add3A_253 = arith.addf %slice3A_251, %slice3A_252 : vector<512x256xf32>
    %mul3A_254 = arith.constant 5.000000e-01 : f32
    %mul3A_255 = vector.broadcast %mul3A_254 : f32 to vector<512x256xf32>
    %mul3A_256 = arith.mulf %mul3A_255, %add3A_253 : vector<512x256xf32>
    %tanh3A_257 = math.tanh %mul3A_256 : vector<512x256xf32>
    %mul3A_258 = arith.constant 5.000000e-01 : f32
    %mul3A_259 = vector.broadcast %mul3A_258 : f32 to vector<512x256xf32>
    %mul3A_260 = arith.mulf %mul3A_259, %tanh3A_257 : vector<512x256xf32>
    %add3A_261 = arith.constant 5.000000e-01 : f32
    %add3A_262 = vector.broadcast %add3A_261 : f32 to vector<512x256xf32>
    %add3A_263 = arith.addf %add3A_262, %mul3A_260 : vector<512x256xf32>
    %slice3A_264 = vector.extract_strided_slice %add3A_263 {offsets = [0, 0], sizes = [512, 128], strides = [1, 1]} : vector<512x256xf32> to vector<512x128xf32>
    %slice3A_265 = vector.extract_strided_slice %add3A_263 {offsets = [0, 128], sizes = [512, 128], strides = [1, 1]} : vector<512x256xf32> to vector<512x128xf32>
    %slice3A_266 = vector.extract_strided_slice %squeeze3A_246 {offsets = [0, 256], sizes = [512, 128], strides = [1, 1]} : vector<512x384xf32> to vector<512x128xf32>
    %slice3A_267 = vector.extract_strided_slice %add3A_250 {offsets = [0, 256], sizes = [512, 128], strides = [1, 1]} : vector<512x384xf32> to vector<512x128xf32>
    %mul3A_268 = arith.mulf %slice3A_265, %slice3A_267 : vector<512x128xf32>
    %add3A_269 = arith.addf %slice3A_266, %mul3A_268 : vector<512x128xf32>
    %tanh3A_270 = math.tanh %add3A_269 : vector<512x128xf32>
    %mul3A_271 = arith.mulf %slice3A_264, %add3A_238 : vector<512x128xf32>
    %sub3A_272 = arith.constant 1.000000e+00 : f32
    %sub3A_273 = vector.broadcast %sub3A_272 : f32 to vector<512x128xf32>
    %sub3A_274 = arith.subf %sub3A_273, %slice3A_264 : vector<512x128xf32>
    %mul3A_275 = arith.mulf %sub3A_274, %tanh3A_270 : vector<512x128xf32>
    %add3A_276 = arith.addf %mul3A_271, %mul3A_275 : vector<512x128xf32>
    %swap3A_277 = arith.constant 0 : index
    %swap3A_278 = arith.constant 6 : index
    %swap3A_279 = arith.constant 0 : index
    %swap3A_280 = vector.load %arg8[%swap3A_277, %swap3A_278, %swap3A_279] : memref<512x8x128xf32, #tpu.memory_space<vmem>>, vector<512x1x128xf32>
    %swap3A_281 = vector.shape_cast %swap3A_280 : vector<512x1x128xf32> to vector<512x128xf32>
    %swap3A_282 = vector.shape_cast %add3A_276 : vector<512x128xf32> to vector<512x1x128xf32>
    tpu.vector_store %arg8[%swap3A_277, %swap3A_278, %swap3A_279], %swap3A_282 {strides = array<i32>} : memref<512x8x128xf32, #tpu.memory_space<vmem>>, vector<512x1x128xf32>,
    %slice3A_283 = vector.extract_strided_slice %add3A_19 {offsets = [0, 7, 0], sizes = [512, 1, 384], strides = [1, 1, 1]} : vector<512x8x384xf32> to vector<512x1x384xf32>
    %squeeze3A_284 = vector.shape_cast %slice3A_283 : vector<512x1x384xf32> to vector<512x384xf32>
    %dot_general3A_285 = arith.constant dense<0.000000e+00> : vector<512x384xf32>
    %dot_general3A_286 = tpu.matmul %add3A_276, %get3A_6, %dot_general3A_285 {dimension_numbers = #tpu.dot_dimension_numbers<[1], [0], [0], [1], [0, 0, 1, 1], [], []>, transpose_lhs_hint = false} : vector<512x128xf32>, vector<128x384xf32>, vector<512x384xf32> -> vector<512x384xf32>
    %add3A_287 = vector.broadcast %get3A_12 : vector<1x384xf32> to vector<512x384xf32>
    %add3A_288 = arith.addf %dot_general3A_286, %add3A_287 : vector<512x384xf32>
    %slice3A_289 = vector.extract_strided_slice %squeeze3A_284 {offsets = [0, 0], sizes = [512, 256], strides = [1, 1]} : vector<512x384xf32> to vector<512x256xf32>
    %slice3A_290 = vector.extract_strided_slice %add3A_288 {offsets = [0, 0], sizes = [512, 256], strides = [1, 1]} : vector<512x384xf32> to vector<512x256xf32>
    %add3A_291 = arith.addf %slice3A_289, %slice3A_290 : vector<512x256xf32>
    %mul3A_292 = arith.constant 5.000000e-01 : f32
    %mul3A_293 = vector.broadcast %mul3A_292 : f32 to vector<512x256xf32>
    %mul3A_294 = arith.mulf %mul3A_293, %add3A_291 : vector<512x256xf32>
    %tanh3A_295 = math.tanh %mul3A_294 : vector<512x256xf32>
    %mul3A_296 = arith.constant 5.000000e-01 : f32
    %mul3A_297 = vector.broadcast %mul3A_296 : f32 to vector<512x256xf32>
    %mul3A_298 = arith.mulf %mul3A_297, %tanh3A_295 : vector<512x256xf32>
    %add3A_299 = arith.constant 5.000000e-01 : f32
    %add3A_300 = vector.broadcast %add3A_299 : f32 to vector<512x256xf32>
    %add3A_301 = arith.addf %add3A_300, %mul3A_298 : vector<512x256xf32>
    %slice3A_302 = vector.extract_strided_slice %add3A_301 {offsets = [0, 0], sizes = [512, 128], strides = [1, 1]} : vector<512x256xf32> to vector<512x128xf32>
    %slice3A_303 = vector.extract_strided_slice %add3A_301 {offsets = [0, 128], sizes = [512, 128], strides = [1, 1]} : vector<512x256xf32> to vector<512x128xf32>
    %slice3A_304 = vector.extract_strided_slice %squeeze3A_284 {offsets = [0, 256], sizes = [512, 128], strides = [1, 1]} : vector<512x384xf32> to vector<512x128xf32>
    %slice3A_305 = vector.extract_strided_slice %add3A_288 {offsets = [0, 256], sizes = [512, 128], strides = [1, 1]} : vector<512x384xf32> to vector<512x128xf32>
    %mul3A_306 = arith.mulf %slice3A_303, %slice3A_305 : vector<512x128xf32>
    %add3A_307 = arith.addf %slice3A_304, %mul3A_306 : vector<512x128xf32>
    %tanh3A_308 = math.tanh %add3A_307 : vector<512x128xf32>
    %mul3A_309 = arith.mulf %slice3A_302, %add3A_276 : vector<512x128xf32>
    %sub3A_310 = arith.constant 1.000000e+00 : f32
    %sub3A_311 = vector.broadcast %sub3A_310 : f32 to vector<512x128xf32>
    %sub3A_312 = arith.subf %sub3A_311, %slice3A_302 : vector<512x128xf32>
    %mul3A_313 = arith.mulf %sub3A_312, %tanh3A_308 : vector<512x128xf32>
    %add3A_314 = arith.addf %mul3A_309, %mul3A_313 : vector<512x128xf32>
    %swap3A_315 = arith.constant 0 : index
    %swap3A_316 = arith.constant 7 : index
    %swap3A_317 = arith.constant 0 : index
    %swap3A_318 = vector.load %arg8[%swap3A_315, %swap3A_316, %swap3A_317] : memref<512x8x128xf32, #tpu.memory_space<vmem>>, vector<512x1x128xf32>
    %swap3A_319 = vector.shape_cast %swap3A_318 : vector<512x1x128xf32> to vector<512x128xf32>
    %swap3A_320 = vector.shape_cast %add3A_314 : vector<512x128xf32> to vector<512x1x128xf32>
    tpu.vector_store %arg8[%swap3A_315, %swap3A_316, %swap3A_317], %swap3A_320 {strides = array<i32>} : memref<512x8x128xf32, #tpu.memory_space<vmem>>, vector<512x1x128xf32>,
    %swap3A_321 = arith.constant 0 : index
    %swap3A_322 = arith.constant 0 : index
    %swap3A_323 = vector.load %arg10[%swap3A_321, %swap3A_322] : memref<512x128xf32, #tpu.memory_space<vmem>>, vector<512x128xf32>
    tpu.vector_store %arg10[%swap3A_321, %swap3A_322], %add3A_314 {strides = array<i32>} : memref<512x128xf32, #tpu.memory_space<vmem>>, vector<512x128xf32>,
    %swap3A_324 = arith.constant 0 : index
    %swap3A_325 = arith.constant 0 : index
    %swap3A_326 = vector.load %arg9[%swap3A_324, %swap3A_325] : memref<512x128xf32, #tpu.memory_space<vmem>>, vector<512x128xf32>
    tpu.vector_store %arg9[%swap3A_324, %swap3A_325], %add3A_314 {strides = array<i32>} : memref<512x128xf32, #tpu.memory_space<vmem>>, vector<512x128xf32>,
    return
  }
  func.func @transform_0(%arg0: i32, %arg1: i32) -> (i32, i32, i32) {
    %c0_i32 = arith.constant 0 : i32
    %c0_i32_0 = arith.constant 0 : i32
    return %arg0, %arg1, %c0_i32 : i32, i32, i32
  }
  func.func @transform_1(%arg0: i32, %arg1: i32) -> (i32, i32) {
    %c0_i32 = arith.constant 0 : i32
    %c0_i32_0 = arith.constant 0 : i32
    return %arg0, %c0_i32 : i32, i32
  }
  func.func @transform_2(%arg0: i32, %arg1: i32) -> (i32, i32) {
    %c0_i32 = arith.constant 0 : i32
    %c0_i32_0 = arith.constant 0 : i32
    %c0_i32_1 = arith.constant 0 : i32
    return %c0_i32, %c0_i32_0 : i32, i32
  }
  func.func @transform_3(%arg0: i32, %arg1: i32) -> (i32, i32) {
    %c0_i32 = arith.constant 0 : i32
    %c0_i32_0 = arith.constant 0 : i32
    %c0_i32_1 = arith.constant 0 : i32
    return %c0_i32, %c0_i32_0 : i32, i32
  }
  func.func @transform_4(%arg0: i32, %arg1: i32) -> (i32, i32) {
    %c0_i32 = arith.constant 0 : i32
    %c0_i32_0 = arith.constant 0 : i32
    %c0_i32_1 = arith.constant 0 : i32
    return %c0_i32, %c0_i32_0 : i32, i32
  }
  func.func @transform_5(%arg0: i32, %arg1: i32) -> (i32, i32) {
    %c0_i32 = arith.constant 0 : i32
    %c0_i32_0 = arith.constant 0 : i32
    %c0_i32_1 = arith.constant 0 : i32
    return %c0_i32, %c0_i32_0 : i32, i32
  }
  func.func @transform_6(%arg0: i32, %arg1: i32) -> (i32, i32, i32) {
    %c0_i32 = arith.constant 0 : i32
    %c0_i32_0 = arith.constant 0 : i32
    return %arg0, %arg1, %c0_i32 : i32, i32, i32
  }
  func.func @transform_7(%arg0: i32, %arg1: i32) -> (i32, i32) {
    %c0_i32 = arith.constant 0 : i32
    %c0_i32_0 = arith.constant 0 : i32
    return %arg0, %c0_i32 : i32, i32
  }
}

</mosaic_0001>

<sc_bundles>
// kernel: kernel.4.cloned.1.call-start
scs
__scs_entry_jumppad:
0x0: {  	(pc) =	sbr.rel $0x88, $3  }
0x1: {  	(tag) =	ssettag $0x0;
	lr =	simm.s32 $0x1  }
0x2: {  	[smem:$0x3F9A] =	sst lr;
	_ =	strace $0xD0000000  }
0x3: {  	_ = 	snop  }
0x4: {  	_ = 	snop  }
0x5: {  	_ = 	snop  }
0x6: {  	_ = 	snop  }
0x7: {  	_ = 	snop  }
__scs_overlays_trampoline_lowered:
0x8: {  	[smem:$0x3FA9] =	sst s0  }
0x9: {  	[smem:$0x3FAA] =	sst s1  }
0xa: {  	[smem:$0x3FAB] =	sst s2  }
0xb: {  	[smem:$0x3FAC] =	sst s3  }
0xc: {  	[smem:$0x3FAD] =	sst s4  }
0xd: {  	[smem:$0x3FAE] =	sst s5  }
0xe: {  	[smem:$0x3FAF] =	sst s6  }
0xf: {  	[smem:$0x3FB0] =	sst s7  }
0x10: {  	[smem:$0x3FB1] =	sst s8  }
0x11: {  	[smem:$0x3FB2] =	sst s9;
	s0 =	simm.s32 @!p0 $0x0  }
0x12: {  	s1 =	sld [smem:$0x3F98];
	s0 =	simm.s32 @p0 $0x1  }
0x13: {  	[smem:$0x3FB3] =	sst s0;
	s0 =	simm.s32 @!p1 $0x0  }
0x14: {  	s2 =	sld [smem:$0x3F97];
	s0 =	simm.s32 @p1 $0x1  }
0x15: {  	[smem:$0x3FB4] =	sst s0;
	s0 =	simm.s32 @!p2 $0x0  }
0x16: {  	s3 =	sld [smem:$0x3FDB];
	s0 =	simm.s32 @p2 $0x1  }
0x17: {  	s4 =	simm.s32 $0x1BF5;
	[smem:$0x3FB6] =	sst s0  }
0x18: {  	s0 =	sld [smem:$0x3F99];
	_ =	swait.ge [sflag:s4], $0x0  }
0x19: {  	s7 =	sld [smem:$0x3F9A]  }
0x1a: {  	s8 =	sadd.s32 $0xFFFFE003, lr  }
0x1b: {  	s9 =	sadd.s32 $0xFFFFFEF7, lr;
	s5 =	simm.s32 $0xFFFFFFFF;
	p2 =	slt.u32 s8, $0xFFFFF086  }
0x1c: {  	p1 =	slt.u32 s9, $0xF7A;
	s5 =	simm.s32 @!p2 $0x0  }
0x1d: {  	s5 =	simm.s32 @p1 $0x1;
	p0 =	seq.s32 s7, s2  }
0x1e: {  	s7 =	smul.u32 @!p0 $0xF7A, s2;
	p2 =	seq.s32 @!p0 s5, $0x0  }
0x1f: {  	s9 =	smul.u32 $0xF7A, s1;
	s8 =	simm.s32 @!p0 $0x1BF5;
	p2 =	por !p2, p0  }
0x20: {  	[sflag:s8] =	ssyncset.s32 @!p0 $0xFFFFF086;
	s6 =	sadd.s32 @!p0 s3, s7;
	s7 =	simm.s32 @!p0 $0x108  }
0x21: {  	s3 =	sadd.s32 s3, s9;
	s6 =	sadd.s32 @!p0 $0x88, s6;
	s7 =	simm.s32 @p2 $0x1082  }
0x22: {  	[simem:s7], [sflag:s8] =	dma.local @!p0 [hbm:s6], $0xF7A  }
0x23: {  	s9 =	sor.u32 $0xD0000000, s2;
	s6 =	simm.s32 $0x108;
	_ =	swait.ge @!p0 [sflag:s8], $0x0  }
0x24: {  	s3 =	sadd.s32 $0x88, s3;
	s6 =	simm.s32 @!p1 $0x1082;
	[sflag:s4] =	ssyncset.s32 $0xFFFFF086  }
0x25: {  	[simem:s6], [sflag:s4] =	dma.local [hbm:s3], $0xF7A  }
0x26: {  	[smem:$0x3F9A] =	sst s1;
	(tag) =	ssettag s2;
	_ =	strace s9  }
0x27: {  	s1 =	sld [smem:$0x3FAA]  }
0x28: {  	s2 =	sld [smem:$0x3FAB]  }
0x29: {  	s4 =	sld [smem:$0x3FAD]  }
0x2a: {  	p0 =	seq.s32 s5, $0x0;
	s5 =	sld [smem:$0x3FAE]  }
0x2b: {  	s6 =	sld [smem:$0x3FAF]  }
0x2c: {  	s7 =	sld [smem:$0x3FB0]  }
0x2d: {  	s3 =	simm.s32 $0x108;
	s8 =	sld [smem:$0x3FB1]  }
0x2e: {  	s3 =	simm.s32 @!p0 $0x1082;
	s9 =	sld [smem:$0x3FB2]  }
0x2f: {  	lr =	sadd.s32 s0, s3;
	s0 =	sld [smem:$0x3FA9]  }
0x30: {  	s3 =	sld [smem:$0x3FAC]  }
0x31: {  	[smem:$0x3FB5] =	sst s10  }
0x32: {  	s10 =	sld [smem:$0x3FB3];
	_ =	sdelay $0x3  }
0x33: {  	p0 =	seq.s32 s10, $0x1;
	s10 =	sld [smem:$0x3FB5];
	_ =	sdelay $0x3  }
0x34: {  	[smem:$0x3FB5] =	sst s10  }
0x35: {  	s10 =	sld [smem:$0x3FB4];
	_ =	sdelay $0x3  }
0x36: {  	p1 =	seq.s32 s10, $0x1;
	s10 =	sld [smem:$0x3FB5];
	_ =	sdelay $0x3  }
0x37: {  	[smem:$0x3FB5] =	sst s10  }
0x38: {  	s10 =	sld [smem:$0x3FB6]  }
0x39: {  	_ = 	snop;
	(pc) =	sbr.ind lr, $3  }
0x3a: {  	_ = 	snop  }
0x3b: {  	_ = 	snop  }
0x3c: {  	p2 =	seq.s32 s10, $0x1;
	s10 =	sld [smem:$0x3FB5]  }
0x3d: {  	_ =	shalt  }
0x3e: {  	_ =	shalt  }
0x3f: {  	_ =	shalt  }
0x40: {  	_ =	shalt  }
0x41: {  	_ =	shalt  }
0x42: {  	_ =	shalt  }
0x43: {  	_ =	shalt  }
0x44: {  	_ =	shalt  }
0x45: {  	_ =	shalt  }
0x46: {  	_ =	shalt  }
0x47: {  	_ =	shalt  }
0x48: {  	_ =	shalt  }
0x49: {  	_ =	shalt  }
0x4a: {  	_ =	shalt  }
0x4b: {  	_ =	shalt  }
0x4c: {  	_ =	shalt  }
0x4d: {  	_ =	shalt  }
0x4e: {  	_ =	shalt  }
0x4f: {  	_ =	shalt  }
0x50: {  	_ =	shalt  }
0x51: {  	_ =	shalt  }
0x52: {  	_ =	shalt  }
0x53: {  	_ =	shalt  }
0x54: {  	_ =	shalt  }
0x55: {  	_ =	shalt  }
0x56: {  	_ =	shalt  }
0x57: {  	_ =	shalt  }
0x58: {  	_ =	shalt  }
0x59: {  	_ =	shalt  }
0x5a: {  	_ =	shalt  }
0x5b: {  	_ =	shalt  }
0x5c: {  	_ =	shalt  }
0x5d: {  	_ =	shalt  }
0x5e: {  	_ =	shalt  }
0x5f: {  	_ =	shalt  }
0x60: {  	_ =	shalt  }
0x61: {  	_ =	shalt  }
0x62: {  	_ =	shalt  }
0x63: {  	_ =	shalt  }
0x64: {  	_ =	shalt  }
0x65: {  	_ =	shalt  }
0x66: {  	_ =	shalt  }
0x67: {  	_ =	shalt  }
0x68: {  	_ =	shalt  }
0x69: {  	_ =	shalt  }
0x6a: {  	_ =	shalt  }
0x6b: {  	_ =	shalt  }
0x6c: {  	_ =	shalt  }
0x6d: {  	_ =	shalt  }
0x6e: {  	_ =	shalt  }
0x6f: {  	_ =	shalt  }
0x70: {  	_ =	shalt  }
0x71: {  	_ =	shalt  }
0x72: {  	_ =	shalt  }
0x73: {  	_ =	shalt  }
0x74: {  	_ =	shalt  }
0x75: {  	_ =	shalt  }
0x76: {  	_ =	shalt  }
0x77: {  	_ =	shalt  }
0x78: {  	_ =	shalt  }
0x79: {  	_ =	shalt  }
0x7a: {  	_ =	shalt  }
0x7b: {  	_ =	shalt  }
0x7c: {  	_ =	shalt  }
0x7d: {  	_ =	shalt  }
0x7e: {  	_ =	shalt  }
0x7f: {  	_ =	shalt  }
0x80: {  	_ =	shalt  }
0x81: {  	_ =	shalt  }
0x82: {  	_ =	shalt  }
0x83: {  	_ =	shalt  }
0x84: {  	_ =	shalt  }
0x85: {  	_ =	shalt  }
0x86: {  	_ =	shalt  }
0x87: {  	_ =	shalt  }
.Lfunc_end0:
.L_simem_size_0:
called_computation_lowered:
.L_overlay_start_0:
0x88: {  	s2 =	sld [smem:$0x3FD9]  }
0x89: {  	s3 =	sld [smem:$0x3FFE];
	_ =	sdelay $0x1  }
0x8a: {  	s1 =	srdreg.scid  }
0x8b: {  	s0 =	sand.u32 $0x1, s1  }
0x8c: {  	s14 =	sshll.u32 s0, $0xA;
	s2 =	sadd.s32 s3, s2  }
0x8d: {  	s2 =	sadd.s32 s2, s14  }
0x8e: {  	[smem:$0x3FC1] =	sst s2  }
0x8f: {  	_ = 	snop  }
0x90: {  	s2 =	sld [smem:$0x3FD0];
	_ =	sdelay $0x2  }
0x91: {  	s4 =	simm.s32 $0xA;
	s5 =	simm.s32 $0x10;
	s15 =	sld [smem:$0x3FC7]  }
0x92: {  	[smem:s5], [sflag:s4] =	dma.local [hbm:s2], $0x1  }
0x93: {  	_ =	swait.eq [sflag:s4], $0x1  }
0x94: {  	[sflag:s4] =	ssyncset.done $0x0  }
0x95: {  	[sflag:s4] =	ssyncadd.s32 $0xFFFFFFFF  }
0x96: {  	s16 =	sld [smem:$0x10];
	(tm) =	ssettm $0x1  }
0x97: {  	s17 =	sld [smem:$0x3FFB];
	_ =	sdelay $0x3  }
0x98: {  	_ =	strace s17  }
0x99: {  	s4 =	sld [smem:$0x3FFC];
	_ =	sdelay $0x3  }
0x9a: {  	_ =	strace s4  }
0x9b: {  	s4 =	sld [smem:$0x3FFD];
	_ =	sdelay $0x3  }
0x9c: {  	_ =	strace s4  }
0x9d: {  	_ =	strace $0x8FFFFFFF  }
0x9e: {  	s18 =	sld [smem:$0x3FDB];
	_ =	sdelay $0x1  }
0x9f: {  	s19 =	simm.s32 $_scs_section_size  }
0xa0: {  	s6 =	simm.s32 $_size__tile_overlayer_lowered;
	s7 =	simm.s32 $_tile_overlayer_lowered  }
0xa1: {  	s22 =	simm.s32 $0x1BFF;
	s21 =	sshll.u32 s7, $0x1;
	s4 =	sadd.s32 s19, s18  }
0xa2: {  	s8 =	simm.s32 $0x0;
	s20 =	sshll.u32 s6, $0x1;
	s6 =	sadd.s32 s21, s4  }
0xa3: {  	[timem:s8], [sflag:s22] =	dma.local [hbm:s6], s20  }
0xa4: {  	_ =	swait.ge [sflag:s22], s20  }
0xa5: {  	s5 =	ssub.s32 $0x0, s20;
	[sflag:s22] =	ssyncset.done $0x0  }
0xa6: {  	[sflag:s22] =	ssyncadd.s32 s5;
	_ =	sdelay $0x1  }
0xa7: {  	s23 =	simm.s32 $0x1B8B  }
0xa8: {  	_ =	swait.ge [sflag:s23], $0x1  }
0xa9: {  	[sflag:s23] =	ssyncset.done $0x0  }
0xaa: {  	s25 =	simm.s32 $0x1B8E;
	s24 =	sld [smem:$0x3FFE];
	[sflag:s23] =	ssyncadd.s32 $0xFFFFFFFF  }
0xab: {  	s26 =	simm.s32 $execute0_lowered;
	[smem:$0x3FD2] =	sst s25  }
0xac: {  	s6 =	sshll.u32 s26, $0x1;
	_ =	strace $0x80000046;
	[dreg:$0x1] =	wrdreg $0xFFFFFFFF  }
0xad: {  	s28 =	simm.s32 $_size_execute0_lowered;
	s4 =	sadd.s32 s4, s6;
	[dreg:$0x0] =	wrdreg $0x0  }
0xae: {  	s6 =	sshll.u32 s28, $0x1;
	[dreg:$0x2] =	wrdreg s4  }
0xaf: {  	[dreg:$0x3] =	wrdreg s6  }
0xb0: {  	[dreg:$0x4] =	wrdreg $0xC0  }
0xb1: {  	_ =	task [dreg:s8], $0x5FFFF  }
0xb2: {  	[dreg:$0x1] =	wrdreg $0xFFFFFFFF  }
0xb3: {  	[dreg:$0x0] =	wrdreg $0x60  }
0xb4: {  	[dreg:$0x2] =	wrdreg s16  }
0xb5: {  	[dreg:$0x3] =	wrdreg s15  }
0xb6: {  	[dreg:$0x4] =	wrdreg s24  }
0xb7: {  	[dreg:$0x5] =	wrdreg $0x9  }
0xb8: {  	_ =	task.clear_ibuf [dreg:s8], $0x6FFFF;
	_ =	strace $0x90000046  }
0xb9: {  	s29 =	simm.s32 $0x9;
	_ =	strace $0x80000048  }
0xba: {  	_ =	swait.ge [sflag:s29], $0x1  }
0xbb: {  	[sflag:s29] =	ssyncadd.s32 $0xFFFFFFFF  }
0xbc: {  	_ =	strace $0x90000048  }
0xbd: {  	_ =	sfence  }
0xbe: {  	s30 =	sld [smem:$0x0];
	_ =	sdelay $0x2  }
0xbf: {  	s31 =	sshll.u32 s1, $0xD;
	s1 =	sshrl.u32 s1, $0x2  }
0xc0: {  	s3 =	sand.u32 $0x4000, s31;
	s1 =	sadd.s32 s1, s30  }
0xc1: {  	s0 =	sor.u32 s3, s0;
	s1 =	sshll.u32 s1, $0x11  }
0xc2: {  	s0 =	sor.u32 s1, s0  }
0xc3: {  	s0 =	sadd.s32 $0x8F2B, s0  }
0xc4: {  	[sflag:s0] =	ssyncadd.remote.s32 $0x1  }
0xc5: {  	_ =	sfence.sel $0xFFFF  }
0xc6: {  	[dreg:$0x0] =	wrdreg $0xFFFFFFFF;
	(pc) =	sbr.abs _section_cstart, $3  }
0xc7: {  	[dreg:$0x1] =	wrdreg $0xFFFFFFFF  }
0xc8: {  	_ =	task.clear_ibuf [dreg:s8], $0x2FFFF;
	_ =	strace $0x9FFFFFFF  }
0xc9: {  	(tm) =	ssettm $0x7FFFFFFF  }
tec
execute0_lowered:
.L_overlay_start_1:
0x0: {  	(tag) =	ssettag $0x1  }
0x1: {  	s6 =	rddreg [dreg:$0x0]  }
0x2: {  	s2 =	rddreg [dreg:$0x1]  }
0x3: {  	s4 =	rddreg [dreg:$0x2]  }
0x4: {  	s0 =	rddreg [dreg:$0x3]  }
0x5: {  	s1 =	stileid.u32;
	s7 =	srdreg.scid  }
0x6: {  	s3 =	simm.s32 $0x0;
	s11 =	simm.s32 $0x100;
	s12 =	simm.s32 $0x8280  }
0x7: {  	s13 =	simm.s32 $0x180;
	s14 =	simm.s32 $0xC280;
	s15 =	simm.s32 $0x200  }
0x8: {  	s16 =	simm.s32 $0x10280;
	s17 =	simm.s32 $0x1;
	s5 =	smul.u32 $0x32000, s1  }
0x9: {  	s18 =	simm.s32 $0x0;
	s7 =	sand.u32 $0x1, s7;
	s8 =	smul.u32 $0x3200, s1  }
0xa: {  	[smem:$0x7FF] =	sst s3;
	s9 =	smul.u32 $0x1900, s7;
	s10 =	ssub.s32 $0x2, s7  }
0xb: {  	_ =	strace $0x80000047;
	s7 =	smul.u32 $0x19000, s7;
	s31 =	sshrl.u32 s10, $0x1  }
0xc: {  	s4 =	sadd.s32 s5, s4;
	s8 =	sadd.s32 s9, s8;
	s5 =	ssub.s32 s10, s31  }
0xd: {  	s7 =	sadd.s32 s7, s4;
	s9 =	simm.s32 $0x280;
	s10 =	simm.s32 $0x4280  }
0xe: {  	s8 =	sshrl.u32 s8, $0x3;
	s4 =	smax.u32 s5, $0x1;
	s5 =	sadd.s32 $0xE00, s7  }
0xf: {  	s7 =	simm.s32 $0x2;
	s6 =	sadd.s32 s8, s6;
	s8 =	simm.s32 $0x80  }
.LBB2_1:
0x10: {  	s19 =	sadd.s32 $0x0, s6  }
0x11: {  	[tilespmem:s3], [sflag:$0x2] =	stream.linear.gather [hbm4b:s19+s3], $0x280, $0x38;
	[tilespmem:$0x14280] =	vst v63  }
0x12: {  	_ =	swait.ge [sflag:s7], $0x280  }
0x13: {  	[sflag:s7] =	ssyncset.done $0x0  }
0x14: {  	[sflag:s7] =	ssyncadd.s32 $0xFFFFFD80  }
0x15: {  	[tilespmem:s9], [sflag:$0x1] =	stream.indirect.gather [hbm4b:s2+s8], $0x80, s3, s8, $0xb8;
	[tilespmem:$0x14280] =	vst v63  }
0x16: {  	_ = 	snop  }
0x17: {  	[tilespmem:s10], [sflag:$0x1] =	stream.indirect.gather [hbm4b:s2+s8], $0x80, s8, s8, $0xb8;
	[tilespmem:$0x14280] =	vst v63  }
0x18: {  	_ = 	snop  }
0x19: {  	[tilespmem:s12], [sflag:$0x1] =	stream.indirect.gather [hbm4b:s2+s8], $0x80, s11, s8, $0xb8;
	[tilespmem:$0x14280] =	vst v63  }
0x1a: {  	_ = 	snop  }
0x1b: {  	[tilespmem:s14], [sflag:$0x1] =	stream.indirect.gather [hbm4b:s2+s8], $0x80, s13, s8, $0xb8;
	[tilespmem:$0x14280] =	vst v63  }
0x1c: {  	_ = 	snop  }
0x1d: {  	[tilespmem:s16], [sflag:$0x1] =	stream.indirect.gather [hbm4b:s2+s8], $0x80, s15, s8, $0xb8;
	[tilespmem:$0x14280] =	vst v63  }
0x1e: {  	_ =	swait.ge [sflag:s17], $0x4000  }
0x1f: {  	[sflag:s17] =	ssyncset.done $0x0  }
0x20: {  	[sflag:s17] =	ssyncadd.s32 $0xFFFFC000  }
0x21: {  	_ =	swait.ge [sflag:s17], $0x4000  }
0x22: {  	[sflag:s17] =	ssyncset.done $0x0  }
0x23: {  	[sflag:s17] =	ssyncadd.s32 $0xFFFFC000  }
0x24: {  	_ =	swait.ge [sflag:s17], $0x4000  }
0x25: {  	[sflag:s17] =	ssyncset.done $0x0  }
0x26: {  	[sflag:s17] =	ssyncadd.s32 $0xFFFFC000  }
0x27: {  	_ =	swait.ge [sflag:s17], $0x4000  }
0x28: {  	[sflag:s17] =	ssyncset.done $0x0  }
0x29: {  	[sflag:s17] =	ssyncadd.s32 $0xFFFFC000  }
0x2a: {  	_ =	swait.ge [sflag:s17], $0x4000  }
0x2b: {  	[sflag:s17] =	ssyncset.done $0x0  }
0x2c: {  	[sflag:s17] =	ssyncadd.s32 $0xFFFFC000  }
0x2d: {  	[hbm4b:s5+s3] =	stream.linear.scatter [tilespmem:s9], [sflag:$0x2], $0x14000, $0x38;
	[tilespmem:$0x14280] =	vst v63  }
0x2e: {  	s20 =	simm.s32 $0x50;
	_ =	swait.ge [sflag:s7], $0x14000  }
0x2f: {  	s21 =	simm.s32 $0xA0;
	s19 =	sadd.s32 $0x2800, s5;
	[sflag:s7] =	ssyncset.done $0x0  }
.LBB2_2:
0x30: {  	s22 =	sadd.s32 s20, s6  }
0x31: {  	[sflag:s7] =	ssyncadd.s32 $0xFFFEC000;
	s20 =	smov.u32 s21;
	s23 =	sadd.s32 $0x50, s21  }
0x32: {  	[tilespmem:s3], [sflag:$0x2] =	stream.linear.gather [hbm4b:s22+s3], $0x280, $0x38;
	[tilespmem:$0x14280] =	vst v63  }
0x33: {  	p0 =	sne.s32 s21, $0x2D0;
	_ =	swait.ge [sflag:s7], $0x280  }
0x34: {  	[sflag:s7] =	ssyncset.done $0x0  }
0x35: {  	[sflag:s7] =	ssyncadd.s32 $0xFFFFFD80  }
0x36: {  	[tilespmem:s9], [sflag:$0x1] =	stream.indirect.gather [hbm4b:s2+s8], $0x80, s3, s8, $0xb8;
	[tilespmem:$0x14280] =	vst v63  }
0x37: {  	_ = 	snop  }
0x38: {  	[tilespmem:s10], [sflag:$0x1] =	stream.indirect.gather [hbm4b:s2+s8], $0x80, s8, s8, $0xb8;
	[tilespmem:$0x14280] =	vst v63  }
0x39: {  	_ = 	snop  }
0x3a: {  	[tilespmem:s12], [sflag:$0x1] =	stream.indirect.gather [hbm4b:s2+s8], $0x80, s11, s8, $0xb8;
	[tilespmem:$0x14280] =	vst v63  }
0x3b: {  	_ = 	snop  }
0x3c: {  	[tilespmem:s14], [sflag:$0x1] =	stream.indirect.gather [hbm4b:s2+s8], $0x80, s13, s8, $0xb8;
	[tilespmem:$0x14280] =	vst v63  }
0x3d: {  	_ = 	snop  }
0x3e: {  	[tilespmem:s16], [sflag:$0x1] =	stream.indirect.gather [hbm4b:s2+s8], $0x80, s15, s8, $0xb8;
	[tilespmem:$0x14280] =	vst v63  }
0x3f: {  	_ =	swait.ge [sflag:s17], $0x4000  }
0x40: {  	[sflag:s17] =	ssyncset.done $0x0  }
0x41: {  	[sflag:s17] =	ssyncadd.s32 $0xFFFFC000  }
0x42: {  	_ =	swait.ge [sflag:s17], $0x4000  }
0x43: {  	[sflag:s17] =	ssyncset.done $0x0  }
0x44: {  	[sflag:s17] =	ssyncadd.s32 $0xFFFFC000  }
0x45: {  	_ =	swait.ge [sflag:s17], $0x4000  }
0x46: {  	[sflag:s17] =	ssyncset.done $0x0  }
0x47: {  	[sflag:s17] =	ssyncadd.s32 $0xFFFFC000  }
0x48: {  	_ =	swait.ge [sflag:s17], $0x4000  }
0x49: {  	[sflag:s17] =	ssyncset.done $0x0  }
0x4a: {  	[sflag:s17] =	ssyncadd.s32 $0xFFFFC000  }
0x4b: {  	_ =	swait.ge [sflag:s17], $0x4000  }
.Ltmp0:
0x4c: {  	[sflag:s17] =	ssyncset.done $0x0;
	(pc) =	sbr.rel @p0 .LBB2_2-.Ltmp0, $4  }
0x4d: {  	[sflag:s17] =	ssyncadd.s32 $0xFFFFC000  }
0x4e: {  	[hbm4b:s19+s3] =	stream.linear.scatter [tilespmem:s9], [sflag:$0x2], $0x14000, $0x38;
	[tilespmem:$0x14280] =	vst v63  }
0x4f: {  	_ =	swait.ge [sflag:s7], $0x14000  }
0x50: {  	s21 =	smov.u32 s23;
	s19 =	sadd.s32 $0x2800, s19;
	[sflag:s7] =	ssyncset.done $0x0  }
0x51: {  	s20 =	sadd.s32 s20, s6;
	[sflag:s7] =	ssyncadd.s32 $0xFFFEC000  }
0x52: {  	[tilespmem:s3], [sflag:$0x2] =	stream.linear.gather [hbm4b:s20+s3], $0x280, $0x38;
	[tilespmem:$0x14280] =	vst v63  }
0x53: {  	_ =	swait.ge [sflag:s7], $0x280  }
0x54: {  	[sflag:s7] =	ssyncset.done $0x0  }
0x55: {  	[sflag:s7] =	ssyncadd.s32 $0xFFFFFD80  }
0x56: {  	[tilespmem:s9], [sflag:$0x1] =	stream.indirect.gather [hbm4b:s2+s8], $0x80, s3, s8, $0xb8;
	[tilespmem:$0x14280] =	vst v63  }
0x57: {  	_ = 	snop  }
0x58: {  	[tilespmem:s10], [sflag:$0x1] =	stream.indirect.gather [hbm4b:s2+s8], $0x80, s8, s8, $0xb8;
	[tilespmem:$0x14280] =	vst v63  }
0x59: {  	_ = 	snop  }
0x5a: {  	[tilespmem:s12], [sflag:$0x1] =	stream.indirect.gather [hbm4b:s2+s8], $0x80, s11, s8, $0xb8;
	[tilespmem:$0x14280] =	vst v63  }
0x5b: {  	_ = 	snop  }
0x5c: {  	[tilespmem:s14], [sflag:$0x1] =	stream.indirect.gather [hbm4b:s2+s8], $0x80, s13, s8, $0xb8;
	[tilespmem:$0x14280] =	vst v63  }
0x5d: {  	_ = 	snop  }
0x5e: {  	[tilespmem:s16], [sflag:$0x1] =	stream.indirect.gather [hbm4b:s2+s8], $0x80, s15, s8, $0xb8;
	[tilespmem:$0x14280] =	vst v63  }
0x5f: {  	_ =	swait.ge [sflag:s17], $0x4000  }
0x60: {  	[sflag:s17] =	ssyncset.done $0x0  }
0x61: {  	[sflag:s17] =	ssyncadd.s32 $0xFFFFC000  }
0x62: {  	_ =	swait.ge [sflag:s17], $0x4000  }
0x63: {  	[sflag:s17] =	ssyncset.done $0x0  }
0x64: {  	[sflag:s17] =	ssyncadd.s32 $0xFFFFC000  }
0x65: {  	_ =	swait.ge [sflag:s17], $0x4000  }
0x66: {  	[sflag:s17] =	ssyncset.done $0x0  }
0x67: {  	[sflag:s17] =	ssyncadd.s32 $0xFFFFC000  }
0x68: {  	_ =	swait.ge [sflag:s17], $0x4000  }
0x69: {  	[sflag:s17] =	ssyncset.done $0x0  }
0x6a: {  	[sflag:s17] =	ssyncadd.s32 $0xFFFFC000  }
0x6b: {  	s18 =	sadd.s32 $0x1, s18;
	_ =	swait.ge [sflag:s17], $0x4000  }
0x6c: {  	p0 =	sne.s32 s18, s4;
	[sflag:s17] =	ssyncset.done $0x0  }
.Ltmp1:
0x6d: {  	[sflag:s17] =	ssyncadd.s32 $0xFFFFC000;
	(pc) =	sbr.rel @p0 .LBB2_1-.Ltmp1, $4  }
0x6e: {  	[hbm4b:s19+s3] =	stream.linear.scatter [tilespmem:s9], [sflag:$0x2], $0x14000, $0x38;
	[tilespmem:$0x14280] =	vst v63  }
0x6f: {  	_ =	swait.ge [sflag:s7], $0x14000  }
0x70: {  	[sflag:s7] =	ssyncset.done $0x0  }
0x71: {  	[sflag:s7] =	ssyncadd.s32 $0xFFFEC000  }
0x72: {  	_ =	sfence.sel $0x180000  }
0x73: {  	[bflag:$0x0] =	sbarrier.arrive $0xFFFF  }
0x74: {  	p0 =	sne.s32 s1, $0x0;
	_ =	strace $0x90000047  }
0x75: {  	s0 =	sadd.s32 @!p0 $0x100000, s0;
	[bflag:$0x2] =	sbarrier.arrive $0xFFFF  }
0x76: {  	[sflag:s0] =	ssyncadd.tile.s32 @!p0 $0x1;
	_ =	shalt  }
.Lfunc_end2:
_tile_overlayer_lowered:
.L_overlay_start_2:
0x77: {  	(tag) =	ssettag $0x2  }
0x78: {  	s0 =	rddreg [dreg:$0x0];
	s2 =	stileid.u32  }
0x79: {  	s1 =	rddreg [dreg:$0x1];
	p0 =	sne.s32 s2, $0x0  }
0x7a: {  	s3 =	rddreg [dreg:$0x2];
	[bflag:$0x3] =	sbarrier.arrive $0xFFFF;
	s2 =	simm.s32 @!p0 $0x1C02  }
0x7b: {  	[timem:s3], [sflag:s2] =	dma.local @!p0 [hbm:s0], s1  }
0x7c: {  	s0 =	simm.s32 @!p0 $0x2  }
0x7d: {  	_ =	swait.ge @!p0 [sflag:s0], s1  }
0x7e: {  	s1 =	ssub.s32 @!p0 $0x0, s1;
	[sflag:s0] =	ssyncset.done @!p0 $0x0  }
0x7f: {  	[sflag:s0] =	ssyncadd.s32 @!p0 s1  }
0x80: {  	[bflag:$0x3] =	sbarrier.arrive $0xFFFF  }
0x81: {  	_ =	shalt  }

</sc_bundles>
